<compile_context>
chip_gen: v7x
topology: tpu7x:2x2x1
jax: 0.10.2.dev20260603
libtpu: 0.0.44.dev20260713+nightly
codegen_flags: <defaults>
</compile_context>

<pallas_src>
import functools

import jax
import jax.numpy as jnp
from jax import lax
from jax.experimental import pallas as pl
from jax.experimental.pallas import tpu as pltpu
from jax.experimental.pallas import tpu_sc as plsc

NC = 2
NS = 16
NW = NC * NS
CHUNK = 80

BN = 2000
BE = 4000


def _seg_tc_body(v_ref, ef_ref, ones_ref, msg_ref, deg_ref):
    eb = pl.program_id(1)
    nb = pl.program_id(0)
    v_blk = v_ref[0, 0]
    ids = nb * BN + lax.broadcasted_iota(jnp.int32, (1, BN), 1)
    oh = (v_blk[:, None] == ids).astype(jnp.bfloat16)
    acc = jnp.dot(oh.T, ef_ref[...].astype(jnp.bfloat16),
                  preferred_element_type=jnp.float32)
    dacc = jnp.dot(oh.T, ones_ref[...],
                   preferred_element_type=jnp.float32)

    @pl.when(eb == 0)
    def _():
        msg_ref[...] = acc
        deg_ref[...] = dacc

    @pl.when(eb != 0)
    def _():
        msg_ref[...] += acc
        deg_ref[...] += dacc


def _seg_sum_tc(ef2, v, N, E):
    v3 = v.reshape(E // BE, 1, BE)
    ones8 = jnp.ones((BE, 8), jnp.bfloat16)
    return pl.pallas_call(
        _seg_tc_body,
        grid=(N // BN, E // BE),
        in_specs=[
            pl.BlockSpec((1, 1, BE), lambda nb, eb: (eb, 0, 0)),
            pl.BlockSpec((BE, 128), lambda nb, eb: (eb, 0)),
            pl.BlockSpec((BE, 8), lambda nb, eb: (0, 0)),
        ],
        out_specs=[
            pl.BlockSpec((BN, 128), lambda nb, eb: (nb, 0)),
            pl.BlockSpec((BN, 8), lambda nb, eb: (nb, 0)),
        ],
        out_shape=[
            jax.ShapeDtypeStruct((N, 128), jnp.float32),
            jax.ShapeDtypeStruct((N, 8), jnp.float32),
        ],
    )(v3, ef2, ones8)


def _gather_sc(h, u, v, N, E):
    D = h.shape[1]
    per_w = E // NW
    n_chunks = per_w // CHUNK
    mesh = plsc.VectorSubcoreMesh(core_axis_name="c", subcore_axis_name="s")

    K = 5
    BATCH = CHUNK * K
    n_iters = per_w // BATCH

    @functools.partial(
        pl.kernel,
        out_type=(
            jax.ShapeDtypeStruct((E, D), jnp.float32),
            jax.ShapeDtypeStruct((E, D), jnp.float32),
        ),
        mesh=mesh,
        scratch_types=[
            pltpu.VMEM((BATCH,), jnp.int32),
            pltpu.VMEM((BATCH,), jnp.int32),
            pltpu.VMEM((BATCH, D), jnp.float32),
            pltpu.VMEM((BATCH, D), jnp.float32),
            pltpu.SemaphoreType.DMA,
            pltpu.SemaphoreType.DMA,
        ],
    )
    def k(h_hbm, u_hbm, v_hbm, gu_hbm, gv_hbm,
          idx_u, idx_w, rows_a, rows_b, sem1, sem2):
        cid = lax.axis_index("c")
        sid = lax.axis_index("s")
        wid = sid * NC + cid
        base = wid * per_w

        @pl.loop(0, n_iters)
        def _(kk):
            off = base + kk * BATCH
            pltpu.sync_copy(u_hbm.at[pl.ds(off, BATCH)], idx_u)
            pltpu.sync_copy(v_hbm.at[pl.ds(off, BATCH)], idx_w)
            copies = []
            for j in range(K):
                sl = pl.ds(j * CHUNK, CHUNK)
                copies.append(pltpu.async_copy(
                    h_hbm.at[idx_u.at[sl]], rows_a.at[sl], sem1))
                copies.append(pltpu.async_copy(
                    h_hbm.at[idx_w.at[sl]], rows_b.at[sl], sem2))
            for c in copies:
                c.wait()
            pltpu.sync_copy(rows_a, gu_hbm.at[pl.ds(off, BATCH)])
            pltpu.sync_copy(rows_b, gv_hbm.at[pl.ds(off, BATCH)])

    return k(h, u, v)


def _node_mlp_body(nf_ref, msg_ref, deg_ref, wt_ref, b_ref, h_ref):
    deg = deg_ref[:, 0:1]
    hn = msg_ref[...] / jnp.maximum(deg, 1.0)
    wt = wt_ref[...]
    acc = jnp.dot(nf_ref[...], wt[:128], precision=lax.Precision.HIGHEST,
                  preferred_element_type=jnp.float32)
    acc += jnp.dot(hn, wt[128:], precision=lax.Precision.HIGHEST,
                   preferred_element_type=jnp.float32)
    h_ref[...] = jnp.maximum(acc + b_ref[...], 0.0)


def _node_mlp(nf2, msg, degw, W_apply_w, W_apply_b, N):
    R = 1000
    grid = (N // R,)
    wt = W_apply_w.T
    b = W_apply_b.reshape(1, -1)
    return pl.pallas_call(
        _node_mlp_body,
        grid=grid,
        in_specs=[
            pl.BlockSpec((R, 128), lambda i: (i, 0)),
            pl.BlockSpec((R, 128), lambda i: (i, 0)),
            pl.BlockSpec((R, 8), lambda i: (i, 0)),
            pl.BlockSpec((256, 128), lambda i: (0, 0)),
            pl.BlockSpec((1, 128), lambda i: (0, 0)),
        ],
        out_specs=pl.BlockSpec((R, 128), lambda i: (i, 0)),
        out_shape=jax.ShapeDtypeStruct((N, 128), jnp.float32),
    )(nf2, msg, degw, wt, b)


def _edge_mlp_body(gu_ref, gv_ref, wu_ref, wv_ref, b_ref, out_ref):
    acc = jnp.dot(gu_ref[...].astype(jnp.bfloat16), wu_ref[...],
                  preferred_element_type=jnp.float32)
    acc += jnp.dot(gv_ref[...].astype(jnp.bfloat16), wv_ref[...],
                   preferred_element_type=jnp.float32)
    out_ref[...] = acc + b_ref[...]


def _edge_mlp(gu, gv, W_edge_w, W_edge_b, E):
    B = 3200
    grid = (E // B,)
    wu = W_edge_w[:, :128].T.astype(jnp.bfloat16)
    wv = W_edge_w[:, 128:].T.astype(jnp.bfloat16)
    b = W_edge_b.reshape(1, -1)
    return pl.pallas_call(
        _edge_mlp_body,
        grid=grid,
        in_specs=[
            pl.BlockSpec((B, 128), lambda i: (i, 0)),
            pl.BlockSpec((B, 128), lambda i: (i, 0)),
            pl.BlockSpec((128, 256), lambda i: (0, 0)),
            pl.BlockSpec((128, 256), lambda i: (0, 0)),
            pl.BlockSpec((1, 256), lambda i: (0, 0)),
        ],
        out_specs=pl.BlockSpec((B, 256), lambda i: (i, 0)),
        out_shape=jax.ShapeDtypeStruct((E, 256), jnp.float32),
    )(gu, gv, wu, wv, b)


def kernel(nfeats, efeats, edge_index, W_apply_w, W_apply_b, W_edge_w, W_edge_b):
    N = nfeats.shape[0]
    E = efeats.shape[0]
    nf2 = nfeats.reshape(N, -1)
    ef2 = efeats.reshape(E, -1)
    u = edge_index[0]
    v = edge_index[1]

    msg, degw = _seg_sum_tc(ef2, v, N, E)
    h = _node_mlp(nf2, msg, degw, W_apply_w, W_apply_b, N)
    gu, gv = _gather_sc(h, u, v, N, E)
    edge = _edge_mlp(gu, gv, W_edge_w, W_edge_b, E)

    return h.reshape(N, 1, 128), edge.reshape(E, 1, 256)

# --- scband reference (transcript-rebuilt; emitter-appended) ---
"""Pipeline reference for scband-sagelayer-30442728194383 (READ-ONLY COPY).

The authoritative reference and input builder live on the scoring server;
editing this copy changes nothing except your own understanding.
"""

import jax, jax.numpy as jnp
import numpy as np

N = 10000
E = 320000
DIN = 128
DE = 128
DOUT = 128


def setup_inputs(seed: int = 0):
    key = jax.random.key(seed)
    k1, k2, k3, k4, k5, k6 = jax.random.split(key, 6)
    nfeats = jax.random.normal(k1, (N, 1, DIN), dtype=jnp.float32)
    efeats = jax.random.normal(k2, (E, 1, DE), dtype=jnp.float32)
    edge_index = jax.random.randint(k3, (2, E), 0, N, dtype=jnp.int32)
    gain = float(np.sqrt(2.0))
    a1 = gain * float(np.sqrt(6.0 / (DIN + DE + DOUT)))
    W_apply_w = jax.random.uniform(k4, (DOUT, DIN + DE), minval=-a1, maxval=a1, dtype=jnp.float32)
    W_apply_b = jnp.zeros((DOUT,), dtype=jnp.float32)
    a2 = float(np.sqrt(1.0 / (2 * DOUT)))
    W_edge_w = jax.random.uniform(k5, (256, 2 * DOUT), minval=-a2, maxval=a2, dtype=jnp.float32)
    W_edge_b = jax.random.uniform(k6, (256,), minval=-a2, maxval=a2, dtype=jnp.float32)
    return {"nfeats": nfeats, "efeats": efeats, "edge_index": edge_index, "W_apply_w": W_apply_w, "W_apply_b": W_apply_b, "W_edge_w": W_edge_w, "W_edge_b": W_edge_b}


def reference(nfeats, efeats, edge_index, W_apply_w, W_apply_b, W_edge_w, W_edge_b):
    u = edge_index[0]
    v = edge_index[1]
    # DGL update_all: message m = edge feature h; fn.mean('m','h_neigh') reduces onto dst nodes (v)
    msg_sum = jax.ops.segment_sum(efeats, v, num_segments=N)
    deg = jax.ops.segment_sum(jnp.ones((E,), dtype=jnp.float32), v, num_segments=N)
    h_neigh = msg_sum / jnp.maximum(deg, 1.0)[:, None, None]  # zero-degree nodes -> 0, matching DGL
    h = jax.nn.relu(jnp.concatenate([nfeats, h_neigh], axis=2) @ W_apply_w.T + W_apply_b)
    # edge MLP on concatenated src/dst updated node features
    edge = jnp.concatenate([h[u], h[v]], axis=2) @ W_edge_w.T + W_edge_b
    return (h, edge)

if __name__ == "__main__":
    import jax
    _d = setup_inputs()
    print(jax.jit(kernel)(*tuple(_d.values())))

</pallas_src>

<mosaic_0001>
#map = affine_map<(d0, d1) -> (0, 0)>
#map1 = affine_map<(d0, d1) -> (0)>
module attributes {stable_mosaic.version = 14 : i64} {
  func.func @k(%arg0: i32, %arg1: i32, %arg2: memref<10000x128xf32, #tpu.memory_space<hbm>>, %arg3: memref<320000xi32, #tpu.memory_space<hbm>>, %arg4: memref<320000xi32, #tpu.memory_space<hbm>>, %arg5: memref<320000x128xf32, #tpu.memory_space<hbm>>, %arg6: memref<320000x128xf32, #tpu.memory_space<hbm>>, %arg7: memref<400xi32, #tpu.memory_space<vmem>>, %arg8: memref<400xi32, #tpu.memory_space<vmem>>, %arg9: memref<400x128xf32, #tpu.memory_space<vmem>>, %arg10: memref<400x128xf32, #tpu.memory_space<vmem>>, %arg11: memref<!tpu.dma_semaphore, #tpu.memory_space<semaphore_mem>>, %arg12: memref<!tpu.dma_semaphore, #tpu.memory_space<semaphore_mem>>) attributes {dimension_semantics = [#tpu.dimension_semantics<core_parallel>, #tpu.dimension_semantics<subcore_parallel>], iteration_bounds = array<i64: 2, 16>, scalar_prefetch = 0 : i64, scratch_operands = 6 : i64, tpu.core_type = #tpu.core_type<sc_vector_subcore>, window_params = [{transform_indices = #map}, {transform_indices = #map1}, {transform_indices = #map1}, {transform_indices = #map}, {transform_indices = #map}]} {
    %mul3A = arith.constant 2 : i32
    %mul3A_0 = arith.muli %arg1, %mul3A : i32
    %add3A = arith.addi %mul3A_0, %arg0 : i32
    %mul3A_1 = arith.constant 10000 : i32
    %mul3A_2 = arith.muli %add3A, %mul3A_1 : i32
    %scan3A = arith.constant 0 : i32
    %scan3A_3 = arith.constant 25 : i32
    %scan3A_4 = arith.addi %scan3A, %scan3A_3 : i32
    %scan3A_5 = arith.constant 1 : i32
    scf.for %scan3A_7 = %scan3A to %scan3A_4 step %scan3A_5  : i32 {
      %mul3A_8 = arith.constant 1 : i32
      %mul3A_9 = arith.muli %scan3A_7, %mul3A_8 : i32
      %add3A_10 = arith.constant 0 : i32
      %add3A_11 = arith.addi %add3A_10, %mul3A_9 : i32
      %mul3A_12 = arith.constant 400 : i32
      %mul3A_13 = arith.muli %add3A_11, %mul3A_12 : i32
      %add3A_14 = arith.addi %mul3A_2, %mul3A_13 : i32
      "tpu.region"() ({
        %run_scoped3A = tpu.sem_alloc : memref<!tpu.dma_semaphore, #tpu.memory_space<semaphore_mem>>
        %dma_start3A_173 = tpu.memref_slice %arg3[%add3A_14] : memref<320000xi32, #tpu.memory_space<hbm>> -> memref<400xi32, #tpu.memory_space<hbm>>
        %dma_start3A_174 = tpu.memref_slice %arg3[%add3A_14] : memref<320000xi32, #tpu.memory_space<hbm>> -> memref<400xi32, #tpu.memory_space<hbm>>
        tpu.enqueue_dma source(%dma_start3A_174 : memref<400xi32, #tpu.memory_space<hbm>>) target(%arg7 : memref<400xi32, #tpu.memory_space<vmem>>) target_semaphore(%run_scoped3A : memref<!tpu.dma_semaphore, #tpu.memory_space<semaphore_mem>>)
        %dma_wait3A_175 = tpu.memref_slice %arg3[%add3A_14] : memref<320000xi32, #tpu.memory_space<hbm>> -> memref<400xi32, #tpu.memory_space<hbm>>
        %dma_wait3A_176 = tpu.memref_slice %arg3[%add3A_14] : memref<320000xi32, #tpu.memory_space<hbm>> -> memref<400xi32, #tpu.memory_space<hbm>>
        tpu.wait_dma2 semaphore(%run_scoped3A : memref<!tpu.dma_semaphore, #tpu.memory_space<semaphore_mem>>) src(%dma_wait3A_176 : memref<400xi32, #tpu.memory_space<hbm>>) dst(%arg7 : memref<400xi32, #tpu.memory_space<vmem>>)
        tpu.yield
      }) : () -> ()
      "tpu.region"() ({
        %run_scoped3A = tpu.sem_alloc : memref<!tpu.dma_semaphore, #tpu.memory_space<semaphore_mem>>
        %dma_start3A_173 = tpu.memref_slice %arg4[%add3A_14] : memref<320000xi32, #tpu.memory_space<hbm>> -> memref<400xi32, #tpu.memory_space<hbm>>
        %dma_start3A_174 = tpu.memref_slice %arg4[%add3A_14] : memref<320000xi32, #tpu.memory_space<hbm>> -> memref<400xi32, #tpu.memory_space<hbm>>
        tpu.enqueue_dma source(%dma_start3A_174 : memref<400xi32, #tpu.memory_space<hbm>>) target(%arg8 : memref<400xi32, #tpu.memory_space<vmem>>) target_semaphore(%run_scoped3A : memref<!tpu.dma_semaphore, #tpu.memory_space<semaphore_mem>>)
        %dma_wait3A_175 = tpu.memref_slice %arg4[%add3A_14] : memref<320000xi32, #tpu.memory_space<hbm>> -> memref<400xi32, #tpu.memory_space<hbm>>
        %dma_wait3A_176 = tpu.memref_slice %arg4[%add3A_14] : memref<320000xi32, #tpu.memory_space<hbm>> -> memref<400xi32, #tpu.memory_space<hbm>>
        tpu.wait_dma2 semaphore(%run_scoped3A : memref<!tpu.dma_semaphore, #tpu.memory_space<semaphore_mem>>) src(%dma_wait3A_176 : memref<400xi32, #tpu.memory_space<hbm>>) dst(%arg8 : memref<400xi32, #tpu.memory_space<vmem>>)
        tpu.yield
      }) : () -> ()
      %dma_start3A = arith.constant 0 : i32
      %dma_start3A_15 = arith.constant 0 : i32
      %dma_start3A_16 = tpu.memref_slice %arg9[%dma_start3A, %dma_start3A_15] : memref<400x128xf32, #tpu.memory_space<vmem>> -> memref<80x128xf32, #tpu.memory_space<vmem>>
      %dma_start3A_17 = arith.constant 0 : i32
      %dma_start3A_18 = tpu.memref_slice %arg7[%dma_start3A_17] : memref<400xi32, #tpu.memory_space<vmem>> -> memref<80xi32, #tpu.memory_space<vmem>>
      %dma_start3A_19 = arith.constant 0 : i32
      %dma_start3A_20 = arith.constant 0 : i32
      %dma_start3A_21 = tpu.memref_slice %arg2[%dma_start3A_19, %dma_start3A_20] : memref<10000x128xf32, #tpu.memory_space<hbm>> -> memref<10000x128xf32, #tpu.memory_space<hbm>>
      tpu.enqueue_indirect_dma source(%dma_start3A_21 : memref<10000x128xf32, #tpu.memory_space<hbm>>) target(%dma_start3A_16 : memref<80x128xf32, #tpu.memory_space<vmem>>) offsets(%dma_start3A_18 : memref<80xi32, #tpu.memory_space<vmem>>) semaphore(%arg11 : memref<!tpu.dma_semaphore, #tpu.memory_space<semaphore_mem>>)
      %dma_start3A_22 = arith.constant 0 : i32
      %dma_start3A_23 = arith.constant 0 : i32
      %dma_start3A_24 = tpu.memref_slice %arg10[%dma_start3A_22, %dma_start3A_23] : memref<400x128xf32, #tpu.memory_space<vmem>> -> memref<80x128xf32, #tpu.memory_space<vmem>>
      %dma_start3A_25 = arith.constant 0 : i32
      %dma_start3A_26 = tpu.memref_slice %arg8[%dma_start3A_25] : memref<400xi32, #tpu.memory_space<vmem>> -> memref<80xi32, #tpu.memory_space<vmem>>
      %dma_start3A_27 = arith.constant 0 : i32
      %dma_start3A_28 = arith.constant 0 : i32
      %dma_start3A_29 = tpu.memref_slice %arg2[%dma_start3A_27, %dma_start3A_28] : memref<10000x128xf32, #tpu.memory_space<hbm>> -> memref<10000x128xf32, #tpu.memory_space<hbm>>
      tpu.enqueue_indirect_dma source(%dma_start3A_29 : memref<10000x128xf32, #tpu.memory_space<hbm>>) target(%dma_start3A_24 : memref<80x128xf32, #tpu.memory_space<vmem>>) offsets(%dma_start3A_26 : memref<80xi32, #tpu.memory_space<vmem>>) semaphore(%arg12 : memref<!tpu.dma_semaphore, #tpu.memory_space<semaphore_mem>>)
      %dma_start3A_30 = arith.constant 80 : i32
      %dma_start3A_31 = arith.constant 0 : i32
      %dma_start3A_32 = tpu.memref_slice %arg9[%dma_start3A_30, %dma_start3A_31] : memref<400x128xf32, #tpu.memory_space<vmem>> -> memref<80x128xf32, #tpu.memory_space<vmem>>
      %dma_start3A_33 = arith.constant 80 : i32
      %dma_start3A_34 = tpu.memref_slice %arg7[%dma_start3A_33] : memref<400xi32, #tpu.memory_space<vmem>> -> memref<80xi32, #tpu.memory_space<vmem>>
      %dma_start3A_35 = arith.constant 0 : i32
      %dma_start3A_36 = arith.constant 0 : i32
      %dma_start3A_37 = tpu.memref_slice %arg2[%dma_start3A_35, %dma_start3A_36] : memref<10000x128xf32, #tpu.memory_space<hbm>> -> memref<10000x128xf32, #tpu.memory_space<hbm>>
      tpu.enqueue_indirect_dma source(%dma_start3A_37 : memref<10000x128xf32, #tpu.memory_space<hbm>>) target(%dma_start3A_32 : memref<80x128xf32, #tpu.memory_space<vmem>>) offsets(%dma_start3A_34 : memref<80xi32, #tpu.memory_space<vmem>>) semaphore(%arg11 : memref<!tpu.dma_semaphore, #tpu.memory_space<semaphore_mem>>)
      %dma_start3A_38 = arith.constant 80 : i32
      %dma_start3A_39 = arith.constant 0 : i32
      %dma_start3A_40 = tpu.memref_slice %arg10[%dma_start3A_38, %dma_start3A_39] : memref<400x128xf32, #tpu.memory_space<vmem>> -> memref<80x128xf32, #tpu.memory_space<vmem>>
      %dma_start3A_41 = arith.constant 80 : i32
      %dma_start3A_42 = tpu.memref_slice %arg8[%dma_start3A_41] : memref<400xi32, #tpu.memory_space<vmem>> -> memref<80xi32, #tpu.memory_space<vmem>>
      %dma_start3A_43 = arith.constant 0 : i32
      %dma_start3A_44 = arith.constant 0 : i32
      %dma_start3A_45 = tpu.memref_slice %arg2[%dma_start3A_43, %dma_start3A_44] : memref<10000x128xf32, #tpu.memory_space<hbm>> -> memref<10000x128xf32, #tpu.memory_space<hbm>>
      tpu.enqueue_indirect_dma source(%dma_start3A_45 : memref<10000x128xf32, #tpu.memory_space<hbm>>) target(%dma_start3A_40 : memref<80x128xf32, #tpu.memory_space<vmem>>) offsets(%dma_start3A_42 : memref<80xi32, #tpu.memory_space<vmem>>) semaphore(%arg12 : memref<!tpu.dma_semaphore, #tpu.memory_space<semaphore_mem>>)
      %dma_start3A_46 = arith.constant 160 : i32
      %dma_start3A_47 = arith.constant 0 : i32
      %dma_start3A_48 = tpu.memref_slice %arg9[%dma_start3A_46, %dma_start3A_47] : memref<400x128xf32, #tpu.memory_space<vmem>> -> memref<80x128xf32, #tpu.memory_space<vmem>>
      %dma_start3A_49 = arith.constant 160 : i32
      %dma_start3A_50 = tpu.memref_slice %arg7[%dma_start3A_49] : memref<400xi32, #tpu.memory_space<vmem>> -> memref<80xi32, #tpu.memory_space<vmem>>
      %dma_start3A_51 = arith.constant 0 : i32
      %dma_start3A_52 = arith.constant 0 : i32
      %dma_start3A_53 = tpu.memref_slice %arg2[%dma_start3A_51, %dma_start3A_52] : memref<10000x128xf32, #tpu.memory_space<hbm>> -> memref<10000x128xf32, #tpu.memory_space<hbm>>
      tpu.enqueue_indirect_dma source(%dma_start3A_53 : memref<10000x128xf32, #tpu.memory_space<hbm>>) target(%dma_start3A_48 : memref<80x128xf32, #tpu.memory_space<vmem>>) offsets(%dma_start3A_50 : memref<80xi32, #tpu.memory_space<vmem>>) semaphore(%arg11 : memref<!tpu.dma_semaphore, #tpu.memory_space<semaphore_mem>>)
      %dma_start3A_54 = arith.constant 160 : i32
      %dma_start3A_55 = arith.constant 0 : i32
      %dma_start3A_56 = tpu.memref_slice %arg10[%dma_start3A_54, %dma_start3A_55] : memref<400x128xf32, #tpu.memory_space<vmem>> -> memref<80x128xf32, #tpu.memory_space<vmem>>
      %dma_start3A_57 = arith.constant 160 : i32
      %dma_start3A_58 = tpu.memref_slice %arg8[%dma_start3A_57] : memref<400xi32, #tpu.memory_space<vmem>> -> memref<80xi32, #tpu.memory_space<vmem>>
      %dma_start3A_59 = arith.constant 0 : i32
      %dma_start3A_60 = arith.constant 0 : i32
      %dma_start3A_61 = tpu.memref_slice %arg2[%dma_start3A_59, %dma_start3A_60] : memref<10000x128xf32, #tpu.memory_space<hbm>> -> memref<10000x128xf32, #tpu.memory_space<hbm>>
      tpu.enqueue_indirect_dma source(%dma_start3A_61 : memref<10000x128xf32, #tpu.memory_space<hbm>>) target(%dma_start3A_56 : memref<80x128xf32, #tpu.memory_space<vmem>>) offsets(%dma_start3A_58 : memref<80xi32, #tpu.memory_space<vmem>>) semaphore(%arg12 : memref<!tpu.dma_semaphore, #tpu.memory_space<semaphore_mem>>)
      %dma_start3A_62 = arith.constant 240 : i32
      %dma_start3A_63 = arith.constant 0 : i32
      %dma_start3A_64 = tpu.memref_slice %arg9[%dma_start3A_62, %dma_start3A_63] : memref<400x128xf32, #tpu.memory_space<vmem>> -> memref<80x128xf32, #tpu.memory_space<vmem>>
      %dma_start3A_65 = arith.constant 240 : i32
      %dma_start3A_66 = tpu.memref_slice %arg7[%dma_start3A_65] : memref<400xi32, #tpu.memory_space<vmem>> -> memref<80xi32, #tpu.memory_space<vmem>>
      %dma_start3A_67 = arith.constant 0 : i32
      %dma_start3A_68 = arith.constant 0 : i32
      %dma_start3A_69 = tpu.memref_slice %arg2[%dma_start3A_67, %dma_start3A_68] : memref<10000x128xf32, #tpu.memory_space<hbm>> -> memref<10000x128xf32, #tpu.memory_space<hbm>>
      tpu.enqueue_indirect_dma source(%dma_start3A_69 : memref<10000x128xf32, #tpu.memory_space<hbm>>) target(%dma_start3A_64 : memref<80x128xf32, #tpu.memory_space<vmem>>) offsets(%dma_start3A_66 : memref<80xi32, #tpu.memory_space<vmem>>) semaphore(%arg11 : memref<!tpu.dma_semaphore, #tpu.memory_space<semaphore_mem>>)
      %dma_start3A_70 = arith.constant 240 : i32
      %dma_start3A_71 = arith.constant 0 : i32
      %dma_start3A_72 = tpu.memref_slice %arg10[%dma_start3A_70, %dma_start3A_71] : memref<400x128xf32, #tpu.memory_space<vmem>> -> memref<80x128xf32, #tpu.memory_space<vmem>>
      %dma_start3A_73 = arith.constant 240 : i32
      %dma_start3A_74 = tpu.memref_slice %arg8[%dma_start3A_73] : memref<400xi32, #tpu.memory_space<vmem>> -> memref<80xi32, #tpu.memory_space<vmem>>
      %dma_start3A_75 = arith.constant 0 : i32
      %dma_start3A_76 = arith.constant 0 : i32
      %dma_start3A_77 = tpu.memref_slice %arg2[%dma_start3A_75, %dma_start3A_76] : memref<10000x128xf32, #tpu.memory_space<hbm>> -> memref<10000x128xf32, #tpu.memory_space<hbm>>
      tpu.enqueue_indirect_dma source(%dma_start3A_77 : memref<10000x128xf32, #tpu.memory_space<hbm>>) target(%dma_start3A_72 : memref<80x128xf32, #tpu.memory_space<vmem>>) offsets(%dma_start3A_74 : memref<80xi32, #tpu.memory_space<vmem>>) semaphore(%arg12 : memref<!tpu.dma_semaphore, #tpu.memory_space<semaphore_mem>>)
      %dma_start3A_78 = arith.constant 320 : i32
      %dma_start3A_79 = arith.constant 0 : i32
      %dma_start3A_80 = tpu.memref_slice %arg9[%dma_start3A_78, %dma_start3A_79] : memref<400x128xf32, #tpu.memory_space<vmem>> -> memref<80x128xf32, #tpu.memory_space<vmem>>
      %dma_start3A_81 = arith.constant 320 : i32
      %dma_start3A_82 = tpu.memref_slice %arg7[%dma_start3A_81] : memref<400xi32, #tpu.memory_space<vmem>> -> memref<80xi32, #tpu.memory_space<vmem>>
      %dma_start3A_83 = arith.constant 0 : i32
      %dma_start3A_84 = arith.constant 0 : i32
      %dma_start3A_85 = tpu.memref_slice %arg2[%dma_start3A_83, %dma_start3A_84] : memref<10000x128xf32, #tpu.memory_space<hbm>> -> memref<10000x128xf32, #tpu.memory_space<hbm>>
      tpu.enqueue_indirect_dma source(%dma_start3A_85 : memref<10000x128xf32, #tpu.memory_space<hbm>>) target(%dma_start3A_80 : memref<80x128xf32, #tpu.memory_space<vmem>>) offsets(%dma_start3A_82 : memref<80xi32, #tpu.memory_space<vmem>>) semaphore(%arg11 : memref<!tpu.dma_semaphore, #tpu.memory_space<semaphore_mem>>)
      %dma_start3A_86 = arith.constant 320 : i32
      %dma_start3A_87 = arith.constant 0 : i32
      %dma_start3A_88 = tpu.memref_slice %arg10[%dma_start3A_86, %dma_start3A_87] : memref<400x128xf32, #tpu.memory_space<vmem>> -> memref<80x128xf32, #tpu.memory_space<vmem>>
      %dma_start3A_89 = arith.constant 320 : i32
      %dma_start3A_90 = tpu.memref_slice %arg8[%dma_start3A_89] : memref<400xi32, #tpu.memory_space<vmem>> -> memref<80xi32, #tpu.memory_space<vmem>>
      %dma_start3A_91 = arith.constant 0 : i32
      %dma_start3A_92 = arith.constant 0 : i32
      %dma_start3A_93 = tpu.memref_slice %arg2[%dma_start3A_91, %dma_start3A_92] : memref<10000x128xf32, #tpu.memory_space<hbm>> -> memref<10000x128xf32, #tpu.memory_space<hbm>>
      tpu.enqueue_indirect_dma source(%dma_start3A_93 : memref<10000x128xf32, #tpu.memory_space<hbm>>) target(%dma_start3A_88 : memref<80x128xf32, #tpu.memory_space<vmem>>) offsets(%dma_start3A_90 : memref<80xi32, #tpu.memory_space<vmem>>) semaphore(%arg12 : memref<!tpu.dma_semaphore, #tpu.memory_space<semaphore_mem>>)
      %dma_wait3A = arith.constant 0 : i32
      %dma_wait3A_94 = arith.constant 0 : i32
      %dma_wait3A_95 = tpu.memref_slice %arg9[%dma_wait3A, %dma_wait3A_94] : memref<400x128xf32, #tpu.memory_space<vmem>> -> memref<80x128xf32, #tpu.memory_space<vmem>>
      %dma_wait3A_96 = arith.constant 0 : i32
      %dma_wait3A_97 = tpu.memref_slice %arg7[%dma_wait3A_96] : memref<400xi32, #tpu.memory_space<vmem>> -> memref<80xi32, #tpu.memory_space<vmem>>
      %dma_wait3A_98 = arith.constant 0 : i32
      %dma_wait3A_99 = arith.constant 0 : i32
      %dma_wait3A_100 = tpu.memref_slice %arg2[%dma_wait3A_98, %dma_wait3A_99] : memref<10000x128xf32, #tpu.memory_space<hbm>> -> memref<10000x128xf32, #tpu.memory_space<hbm>>
      tpu.wait_indirect_dma semaphore(%arg11 : memref<!tpu.dma_semaphore, #tpu.memory_space<semaphore_mem>>) src(%dma_wait3A_100 : memref<10000x128xf32, #tpu.memory_space<hbm>>) dst(%dma_wait3A_95 : memref<80x128xf32, #tpu.memory_space<vmem>>)
      %dma_wait3A_101 = arith.constant 0 : i32
      %dma_wait3A_102 = arith.constant 0 : i32
      %dma_wait3A_103 = tpu.memref_slice %arg10[%dma_wait3A_101, %dma_wait3A_102] : memref<400x128xf32, #tpu.memory_space<vmem>> -> memref<80x128xf32, #tpu.memory_space<vmem>>
      %dma_wait3A_104 = arith.constant 0 : i32
      %dma_wait3A_105 = tpu.memref_slice %arg8[%dma_wait3A_104] : memref<400xi32, #tpu.memory_space<vmem>> -> memref<80xi32, #tpu.memory_space<vmem>>
      %dma_wait3A_106 = arith.constant 0 : i32
      %dma_wait3A_107 = arith.constant 0 : i32
      %dma_wait3A_108 = tpu.memref_slice %arg2[%dma_wait3A_106, %dma_wait3A_107] : memref<10000x128xf32, #tpu.memory_space<hbm>> -> memref<10000x128xf32, #tpu.memory_space<hbm>>
      tpu.wait_indirect_dma semaphore(%arg12 : memref<!tpu.dma_semaphore, #tpu.memory_space<semaphore_mem>>) src(%dma_wait3A_108 : memref<10000x128xf32, #tpu.memory_space<hbm>>) dst(%dma_wait3A_103 : memref<80x128xf32, #tpu.memory_space<vmem>>)
      %dma_wait3A_109 = arith.constant 80 : i32
      %dma_wait3A_110 = arith.constant 0 : i32
      %dma_wait3A_111 = tpu.memref_slice %arg9[%dma_wait3A_109, %dma_wait3A_110] : memref<400x128xf32, #tpu.memory_space<vmem>> -> memref<80x128xf32, #tpu.memory_space<vmem>>
      %dma_wait3A_112 = arith.constant 80 : i32
      %dma_wait3A_113 = tpu.memref_slice %arg7[%dma_wait3A_112] : memref<400xi32, #tpu.memory_space<vmem>> -> memref<80xi32, #tpu.memory_space<vmem>>
      %dma_wait3A_114 = arith.constant 0 : i32
      %dma_wait3A_115 = arith.constant 0 : i32
      %dma_wait3A_116 = tpu.memref_slice %arg2[%dma_wait3A_114, %dma_wait3A_115] : memref<10000x128xf32, #tpu.memory_space<hbm>> -> memref<10000x128xf32, #tpu.memory_space<hbm>>
      tpu.wait_indirect_dma semaphore(%arg11 : memref<!tpu.dma_semaphore, #tpu.memory_space<semaphore_mem>>) src(%dma_wait3A_116 : memref<10000x128xf32, #tpu.memory_space<hbm>>) dst(%dma_wait3A_111 : memref<80x128xf32, #tpu.memory_space<vmem>>)
      %dma_wait3A_117 = arith.constant 80 : i32
      %dma_wait3A_118 = arith.constant 0 : i32
      %dma_wait3A_119 = tpu.memref_slice %arg10[%dma_wait3A_117, %dma_wait3A_118] : memref<400x128xf32, #tpu.memory_space<vmem>> -> memref<80x128xf32, #tpu.memory_space<vmem>>
      %dma_wait3A_120 = arith.constant 80 : i32
      %dma_wait3A_121 = tpu.memref_slice %arg8[%dma_wait3A_120] : memref<400xi32, #tpu.memory_space<vmem>> -> memref<80xi32, #tpu.memory_space<vmem>>
      %dma_wait3A_122 = arith.constant 0 : i32
      %dma_wait3A_123 = arith.constant 0 : i32
      %dma_wait3A_124 = tpu.memref_slice %arg2[%dma_wait3A_122, %dma_wait3A_123] : memref<10000x128xf32, #tpu.memory_space<hbm>> -> memref<10000x128xf32, #tpu.memory_space<hbm>>
      tpu.wait_indirect_dma semaphore(%arg12 : memref<!tpu.dma_semaphore, #tpu.memory_space<semaphore_mem>>) src(%dma_wait3A_124 : memref<10000x128xf32, #tpu.memory_space<hbm>>) dst(%dma_wait3A_119 : memref<80x128xf32, #tpu.memory_space<vmem>>)
      %dma_wait3A_125 = arith.constant 160 : i32
      %dma_wait3A_126 = arith.constant 0 : i32
      %dma_wait3A_127 = tpu.memref_slice %arg9[%dma_wait3A_125, %dma_wait3A_126] : memref<400x128xf32, #tpu.memory_space<vmem>> -> memref<80x128xf32, #tpu.memory_space<vmem>>
      %dma_wait3A_128 = arith.constant 160 : i32
      %dma_wait3A_129 = tpu.memref_slice %arg7[%dma_wait3A_128] : memref<400xi32, #tpu.memory_space<vmem>> -> memref<80xi32, #tpu.memory_space<vmem>>
      %dma_wait3A_130 = arith.constant 0 : i32
      %dma_wait3A_131 = arith.constant 0 : i32
      %dma_wait3A_132 = tpu.memref_slice %arg2[%dma_wait3A_130, %dma_wait3A_131] : memref<10000x128xf32, #tpu.memory_space<hbm>> -> memref<10000x128xf32, #tpu.memory_space<hbm>>
      tpu.wait_indirect_dma semaphore(%arg11 : memref<!tpu.dma_semaphore, #tpu.memory_space<semaphore_mem>>) src(%dma_wait3A_132 : memref<10000x128xf32, #tpu.memory_space<hbm>>) dst(%dma_wait3A_127 : memref<80x128xf32, #tpu.memory_space<vmem>>)
      %dma_wait3A_133 = arith.constant 160 : i32
      %dma_wait3A_134 = arith.constant 0 : i32
      %dma_wait3A_135 = tpu.memref_slice %arg10[%dma_wait3A_133, %dma_wait3A_134] : memref<400x128xf32, #tpu.memory_space<vmem>> -> memref<80x128xf32, #tpu.memory_space<vmem>>
      %dma_wait3A_136 = arith.constant 160 : i32
      %dma_wait3A_137 = tpu.memref_slice %arg8[%dma_wait3A_136] : memref<400xi32, #tpu.memory_space<vmem>> -> memref<80xi32, #tpu.memory_space<vmem>>
      %dma_wait3A_138 = arith.constant 0 : i32
      %dma_wait3A_139 = arith.constant 0 : i32
      %dma_wait3A_140 = tpu.memref_slice %arg2[%dma_wait3A_138, %dma_wait3A_139] : memref<10000x128xf32, #tpu.memory_space<hbm>> -> memref<10000x128xf32, #tpu.memory_space<hbm>>
      tpu.wait_indirect_dma semaphore(%arg12 : memref<!tpu.dma_semaphore, #tpu.memory_space<semaphore_mem>>) src(%dma_wait3A_140 : memref<10000x128xf32, #tpu.memory_space<hbm>>) dst(%dma_wait3A_135 : memref<80x128xf32, #tpu.memory_space<vmem>>)
      %dma_wait3A_141 = arith.constant 240 : i32
      %dma_wait3A_142 = arith.constant 0 : i32
      %dma_wait3A_143 = tpu.memref_slice %arg9[%dma_wait3A_141, %dma_wait3A_142] : memref<400x128xf32, #tpu.memory_space<vmem>> -> memref<80x128xf32, #tpu.memory_space<vmem>>
      %dma_wait3A_144 = arith.constant 240 : i32
      %dma_wait3A_145 = tpu.memref_slice %arg7[%dma_wait3A_144] : memref<400xi32, #tpu.memory_space<vmem>> -> memref<80xi32, #tpu.memory_space<vmem>>
      %dma_wait3A_146 = arith.constant 0 : i32
      %dma_wait3A_147 = arith.constant 0 : i32
      %dma_wait3A_148 = tpu.memref_slice %arg2[%dma_wait3A_146, %dma_wait3A_147] : memref<10000x128xf32, #tpu.memory_space<hbm>> -> memref<10000x128xf32, #tpu.memory_space<hbm>>
      tpu.wait_indirect_dma semaphore(%arg11 : memref<!tpu.dma_semaphore, #tpu.memory_space<semaphore_mem>>) src(%dma_wait3A_148 : memref<10000x128xf32, #tpu.memory_space<hbm>>) dst(%dma_wait3A_143 : memref<80x128xf32, #tpu.memory_space<vmem>>)
      %dma_wait3A_149 = arith.constant 240 : i32
      %dma_wait3A_150 = arith.constant 0 : i32
      %dma_wait3A_151 = tpu.memref_slice %arg10[%dma_wait3A_149, %dma_wait3A_150] : memref<400x128xf32, #tpu.memory_space<vmem>> -> memref<80x128xf32, #tpu.memory_space<vmem>>
      %dma_wait3A_152 = arith.constant 240 : i32
      %dma_wait3A_153 = tpu.memref_slice %arg8[%dma_wait3A_152] : memref<400xi32, #tpu.memory_space<vmem>> -> memref<80xi32, #tpu.memory_space<vmem>>
      %dma_wait3A_154 = arith.constant 0 : i32
      %dma_wait3A_155 = arith.constant 0 : i32
      %dma_wait3A_156 = tpu.memref_slice %arg2[%dma_wait3A_154, %dma_wait3A_155] : memref<10000x128xf32, #tpu.memory_space<hbm>> -> memref<10000x128xf32, #tpu.memory_space<hbm>>
      tpu.wait_indirect_dma semaphore(%arg12 : memref<!tpu.dma_semaphore, #tpu.memory_space<semaphore_mem>>) src(%dma_wait3A_156 : memref<10000x128xf32, #tpu.memory_space<hbm>>) dst(%dma_wait3A_151 : memref<80x128xf32, #tpu.memory_space<vmem>>)
      %dma_wait3A_157 = arith.constant 320 : i32
      %dma_wait3A_158 = arith.constant 0 : i32
      %dma_wait3A_159 = tpu.memref_slice %arg9[%dma_wait3A_157, %dma_wait3A_158] : memref<400x128xf32, #tpu.memory_space<vmem>> -> memref<80x128xf32, #tpu.memory_space<vmem>>
      %dma_wait3A_160 = arith.constant 320 : i32
      %dma_wait3A_161 = tpu.memref_slice %arg7[%dma_wait3A_160] : memref<400xi32, #tpu.memory_space<vmem>> -> memref<80xi32, #tpu.memory_space<vmem>>
      %dma_wait3A_162 = arith.constant 0 : i32
      %dma_wait3A_163 = arith.constant 0 : i32
      %dma_wait3A_164 = tpu.memref_slice %arg2[%dma_wait3A_162, %dma_wait3A_163] : memref<10000x128xf32, #tpu.memory_space<hbm>> -> memref<10000x128xf32, #tpu.memory_space<hbm>>
      tpu.wait_indirect_dma semaphore(%arg11 : memref<!tpu.dma_semaphore, #tpu.memory_space<semaphore_mem>>) src(%dma_wait3A_164 : memref<10000x128xf32, #tpu.memory_space<hbm>>) dst(%dma_wait3A_159 : memref<80x128xf32, #tpu.memory_space<vmem>>)
      %dma_wait3A_165 = arith.constant 320 : i32
      %dma_wait3A_166 = arith.constant 0 : i32
      %dma_wait3A_167 = tpu.memref_slice %arg10[%dma_wait3A_165, %dma_wait3A_166] : memref<400x128xf32, #tpu.memory_space<vmem>> -> memref<80x128xf32, #tpu.memory_space<vmem>>
      %dma_wait3A_168 = arith.constant 320 : i32
      %dma_wait3A_169 = tpu.memref_slice %arg8[%dma_wait3A_168] : memref<400xi32, #tpu.memory_space<vmem>> -> memref<80xi32, #tpu.memory_space<vmem>>
      %dma_wait3A_170 = arith.constant 0 : i32
      %dma_wait3A_171 = arith.constant 0 : i32
      %dma_wait3A_172 = tpu.memref_slice %arg2[%dma_wait3A_170, %dma_wait3A_171] : memref<10000x128xf32, #tpu.memory_space<hbm>> -> memref<10000x128xf32, #tpu.memory_space<hbm>>
      tpu.wait_indirect_dma semaphore(%arg12 : memref<!tpu.dma_semaphore, #tpu.memory_space<semaphore_mem>>) src(%dma_wait3A_172 : memref<10000x128xf32, #tpu.memory_space<hbm>>) dst(%dma_wait3A_167 : memref<80x128xf32, #tpu.memory_space<vmem>>)
      "tpu.region"() ({
        %run_scoped3A = tpu.sem_alloc : memref<!tpu.dma_semaphore, #tpu.memory_space<semaphore_mem>>
        %dma_start3A_173 = arith.constant 0 : i32
        %dma_start3A_174 = tpu.memref_slice %arg5[%add3A_14, %dma_start3A_173] : memref<320000x128xf32, #tpu.memory_space<hbm>> -> memref<400x128xf32, #tpu.memory_space<hbm>>
        %dma_start3A_175 = arith.constant 0 : i32
        %dma_start3A_176 = tpu.memref_slice %arg5[%add3A_14, %dma_start3A_175] : memref<320000x128xf32, #tpu.memory_space<hbm>> -> memref<400x128xf32, #tpu.memory_space<hbm>>
        tpu.enqueue_dma source(%arg9 : memref<400x128xf32, #tpu.memory_space<vmem>>) target(%dma_start3A_176 : memref<400x128xf32, #tpu.memory_space<hbm>>) target_semaphore(%run_scoped3A : memref<!tpu.dma_semaphore, #tpu.memory_space<semaphore_mem>>)
        %dma_wait3A_177 = arith.constant 0 : i32
        %dma_wait3A_178 = tpu.memref_slice %arg5[%add3A_14, %dma_wait3A_177] : memref<320000x128xf32, #tpu.memory_space<hbm>> -> memref<400x128xf32, #tpu.memory_space<hbm>>
        %dma_wait3A_179 = arith.constant 0 : i32
        %dma_wait3A_180 = tpu.memref_slice %arg5[%add3A_14, %dma_wait3A_179] : memref<320000x128xf32, #tpu.memory_space<hbm>> -> memref<400x128xf32, #tpu.memory_space<hbm>>
        tpu.wait_dma2 semaphore(%run_scoped3A : memref<!tpu.dma_semaphore, #tpu.memory_space<semaphore_mem>>) src(%arg9 : memref<400x128xf32, #tpu.memory_space<vmem>>) dst(%dma_wait3A_180 : memref<400x128xf32, #tpu.memory_space<hbm>>)
        tpu.yield
      }) : () -> ()
      "tpu.region"() ({
        %run_scoped3A = tpu.sem_alloc : memref<!tpu.dma_semaphore, #tpu.memory_space<semaphore_mem>>
        %dma_start3A_173 = arith.constant 0 : i32
        %dma_start3A_174 = tpu.memref_slice %arg6[%add3A_14, %dma_start3A_173] : memref<320000x128xf32, #tpu.memory_space<hbm>> -> memref<400x128xf32, #tpu.memory_space<hbm>>
        %dma_start3A_175 = arith.constant 0 : i32
        %dma_start3A_176 = tpu.memref_slice %arg6[%add3A_14, %dma_start3A_175] : memref<320000x128xf32, #tpu.memory_space<hbm>> -> memref<400x128xf32, #tpu.memory_space<hbm>>
        tpu.enqueue_dma source(%arg10 : memref<400x128xf32, #tpu.memory_space<vmem>>) target(%dma_start3A_176 : memref<400x128xf32, #tpu.memory_space<hbm>>) target_semaphore(%run_scoped3A : memref<!tpu.dma_semaphore, #tpu.memory_space<semaphore_mem>>)
        %dma_wait3A_177 = arith.constant 0 : i32
        %dma_wait3A_178 = tpu.memref_slice %arg6[%add3A_14, %dma_wait3A_177] : memref<320000x128xf32, #tpu.memory_space<hbm>> -> memref<400x128xf32, #tpu.memory_space<hbm>>
        %dma_wait3A_179 = arith.constant 0 : i32
        %dma_wait3A_180 = tpu.memref_slice %arg6[%add3A_14, %dma_wait3A_179] : memref<320000x128xf32, #tpu.memory_space<hbm>> -> memref<400x128xf32, #tpu.memory_space<hbm>>
        tpu.wait_dma2 semaphore(%run_scoped3A : memref<!tpu.dma_semaphore, #tpu.memory_space<semaphore_mem>>) src(%arg10 : memref<400x128xf32, #tpu.memory_space<vmem>>) dst(%dma_wait3A_180 : memref<400x128xf32, #tpu.memory_space<hbm>>)
        tpu.yield
      }) : () -> ()
    }
    %scan3A_6 = arith.constant 25 : i32
    return
  }
}

module attributes {stable_mosaic.version = 14 : i64} {
  func.func @_seg_tc_body(%arg0: i32, %arg1: i32, %arg2: memref<1x1x4000xi32, #tpu.memory_space<vmem>>, %arg3: memref<4000x128xf32, #tpu.memory_space<vmem>>, %arg4: memref<4000x8xbf16, #tpu.memory_space<vmem>>, %arg5: memref<2000x128xf32, #tpu.memory_space<vmem>>, %arg6: memref<2000x8xf32, #tpu.memory_space<vmem>>) attributes {dimension_semantics = [#tpu.dimension_semantics<arbitrary>, #tpu.dimension_semantics<arbitrary>], iteration_bounds = array<i64: 5, 80>, scalar_prefetch = 0 : i64, scratch_operands = 0 : i64, tpu.core_type = #tpu.core_type<tc>, window_params = [{transform_indices = @transform_0, window_bounds = array<i64: 1, 1, 4000>}, {transform_indices = @transform_1, window_bounds = array<i64: 4000, 128>}, {pipeline_mode = #tpu.pipeline_mode<synchronous>, transform_indices = @transform_2, window_bounds = array<i64: 4000, 8>}, {transform_indices = @transform_3, window_bounds = array<i64: 2000, 128>}, {transform_indices = @transform_4, window_bounds = array<i64: 2000, 8>}]} {
    %get3A = arith.constant 0 : index
    %get3A_0 = arith.constant 0 : index
    %get3A_1 = arith.constant 0 : index
    %get3A_2 = vector.load %arg2[%get3A, %get3A_0, %get3A_1] : memref<1x1x4000xi32, #tpu.memory_space<vmem>>, vector<1x1x4000xi32>
    %get3A_3 = vector.shape_cast %get3A_2 : vector<1x1x4000xi32> to vector<4000xi32>
    %mul3A = arith.constant 2000 : i32
    %mul3A_4 = arith.muli %arg0, %mul3A : i32
    %iota3A = tpu.iota {dimensions = array<i32: 1>} : vector<1x2000xi32>
    %add3A = vector.broadcast %mul3A_4 : i32 to vector<1x2000xi32>
    %add3A_5 = arith.addi %add3A, %iota3A : vector<1x2000xi32>
    %broadcast_in_dim3A = vector.shape_cast %get3A_3 : vector<4000xi32> to vector<4000x1xi32>
    %eq3A = vector.broadcast %broadcast_in_dim3A : vector<4000x1xi32> to vector<4000x2000xi32>
    %eq3A_6 = vector.broadcast %add3A_5 : vector<1x2000xi32> to vector<4000x2000xi32>
    %eq3A_7 = arith.cmpi eq, %eq3A, %eq3A_6 : vector<4000x2000xi32>
    %convert_element_type3A = arith.extui %eq3A_7 : vector<4000x2000xi1> to vector<4000x2000xi32>
    %convert_element_type3A_8 = arith.sitofp %convert_element_type3A : vector<4000x2000xi32> to vector<4000x2000xf32>
    %convert_element_type3A_9 = arith.truncf %convert_element_type3A_8 : vector<4000x2000xf32> to vector<4000x2000xbf16>
    %transpose3A = tpu.transpose %convert_element_type3A_9, [1, 0] : vector<4000x2000xbf16> -> vector<2000x4000xbf16>
    %get3A_10 = arith.constant 0 : index
    %get3A_11 = arith.constant 0 : index
    %get3A_12 = vector.load %arg3[%get3A_10, %get3A_11] : memref<4000x128xf32, #tpu.memory_space<vmem>>, vector<4000x128xf32>
    %convert_element_type3A_13 = arith.truncf %get3A_12 : vector<4000x128xf32> to vector<4000x128xbf16>
    %dot_general3A = arith.constant dense<0.000000e+00> : vector<2000x128xf32>
    %dot_general3A_14 = tpu.matmul %transpose3A, %convert_element_type3A_13, %dot_general3A {dimension_numbers = #tpu.dot_dimension_numbers<[1], [0], [0], [1], [0, 0, 1, 1], [], []>, transpose_lhs_hint = false} : vector<2000x4000xbf16>, vector<4000x128xbf16>, vector<2000x128xf32> -> vector<2000x128xf32>
    %transpose3A_15 = tpu.transpose %convert_element_type3A_9, [1, 0] : vector<4000x2000xbf16> -> vector<2000x4000xbf16>
    %get3A_16 = arith.constant 0 : index
    %get3A_17 = arith.constant 0 : index
    %get3A_18 = vector.load %arg4[%get3A_16, %get3A_17] : memref<4000x8xbf16, #tpu.memory_space<vmem>>, vector<4000x8xbf16>
    %dot_general3A_19 = arith.constant dense<0.000000e+00> : vector<2000x8xf32>
    %dot_general3A_20 = tpu.matmul %transpose3A_15, %get3A_18, %dot_general3A_19 {dimension_numbers = #tpu.dot_dimension_numbers<[1], [0], [0], [1], [0, 0, 1, 1], [], []>, transpose_lhs_hint = false} : vector<2000x4000xbf16>, vector<4000x8xbf16>, vector<2000x8xf32> -> vector<2000x8xf32>
    %eq3A_21 = arith.constant 0 : i32
    %eq3A_22 = arith.cmpi eq, %arg1, %eq3A_21 : i32
    %convert_element_type3A_23 = arith.extui %eq3A_22 : i1 to i32
    %cond3A = arith.constant 0 : i32
    %cond3A_24 = arith.cmpi ne, %convert_element_type3A_23, %cond3A : i32
    scf.if %cond3A_24 {
      %swap3A = arith.constant 0 : index
      %swap3A_29 = arith.constant 0 : index
      %swap3A_30 = vector.load %arg5[%swap3A, %swap3A_29] : memref<2000x128xf32, #tpu.memory_space<vmem>>, vector<2000x128xf32>
      tpu.vector_store %arg5[%swap3A, %swap3A_29], %dot_general3A_14 {strides = array<i32>} : memref<2000x128xf32, #tpu.memory_space<vmem>>, vector<2000x128xf32>,
      %swap3A_31 = arith.constant 0 : index
      %swap3A_32 = arith.constant 0 : index
      %swap3A_33 = vector.load %arg6[%swap3A_31, %swap3A_32] : memref<2000x8xf32, #tpu.memory_space<vmem>>, vector<2000x8xf32>
      tpu.vector_store %arg6[%swap3A_31, %swap3A_32], %dot_general3A_20 {strides = array<i32>} : memref<2000x8xf32, #tpu.memory_space<vmem>>, vector<2000x8xf32>,
    } else {
    }
    %ne3A = arith.constant 0 : i32
    %ne3A_25 = arith.cmpi ne, %arg1, %ne3A : i32
    %convert_element_type3A_26 = arith.extui %ne3A_25 : i1 to i32
    %cond3A_27 = arith.constant 0 : i32
    %cond3A_28 = arith.cmpi ne, %convert_element_type3A_26, %cond3A_27 : i32
    scf.if %cond3A_28 {
      %get3A_29 = arith.constant 0 : index
      %get3A_30 = arith.constant 0 : index
      %get3A_31 = vector.load %arg5[%get3A_29, %get3A_30] : memref<2000x128xf32, #tpu.memory_space<vmem>>, vector<2000x128xf32>
      %add3A_32 = arith.addf %get3A_31, %dot_general3A_14 : vector<2000x128xf32>
      %swap3A = arith.constant 0 : index
      %swap3A_33 = arith.constant 0 : index
      %swap3A_34 = vector.load %arg5[%swap3A, %swap3A_33] : memref<2000x128xf32, #tpu.memory_space<vmem>>, vector<2000x128xf32>
      tpu.vector_store %arg5[%swap3A, %swap3A_33], %add3A_32 {strides = array<i32>} : memref<2000x128xf32, #tpu.memory_space<vmem>>, vector<2000x128xf32>,
      %get3A_35 = arith.constant 0 : index
      %get3A_36 = arith.constant 0 : index
      %get3A_37 = vector.load %arg6[%get3A_35, %get3A_36] : memref<2000x8xf32, #tpu.memory_space<vmem>>, vector<2000x8xf32>
      %add3A_38 = arith.addf %get3A_37, %dot_general3A_20 : vector<2000x8xf32>
      %swap3A_39 = arith.constant 0 : index
      %swap3A_40 = arith.constant 0 : index
      %swap3A_41 = vector.load %arg6[%swap3A_39, %swap3A_40] : memref<2000x8xf32, #tpu.memory_space<vmem>>, vector<2000x8xf32>
      tpu.vector_store %arg6[%swap3A_39, %swap3A_40], %add3A_38 {strides = array<i32>} : memref<2000x8xf32, #tpu.memory_space<vmem>>, vector<2000x8xf32>,
    } else {
    }
    return
  }
  func.func @transform_0(%arg0: i32, %arg1: i32) -> (i32, i32, i32) {
    %c0_i32 = arith.constant 0 : i32
    %c0_i32_0 = arith.constant 0 : i32
    %c0_i32_1 = arith.constant 0 : i32
    return %arg1, %c0_i32, %c0_i32_0 : i32, i32, i32
  }
  func.func @transform_1(%arg0: i32, %arg1: i32) -> (i32, i32) {
    %c0_i32 = arith.constant 0 : i32
    %c0_i32_0 = arith.constant 0 : i32
    return %arg1, %c0_i32 : i32, i32
  }
  func.func @transform_2(%arg0: i32, %arg1: i32) -> (i32, i32) {
    %c0_i32 = arith.constant 0 : i32
    %c0_i32_0 = arith.constant 0 : i32
    %c0_i32_1 = arith.constant 0 : i32
    return %c0_i32, %c0_i32_0 : i32, i32
  }
  func.func @transform_3(%arg0: i32, %arg1: i32) -> (i32, i32) {
    %c0_i32 = arith.constant 0 : i32
    %c0_i32_0 = arith.constant 0 : i32
    return %arg0, %c0_i32 : i32, i32
  }
  func.func @transform_4(%arg0: i32, %arg1: i32) -> (i32, i32) {
    %c0_i32 = arith.constant 0 : i32
    %c0_i32_0 = arith.constant 0 : i32
    return %arg0, %c0_i32 : i32, i32
  }
}

module attributes {stable_mosaic.version = 14 : i64} {
  func.func @_node_mlp_body(%arg0: i32, %arg1: memref<1000x128xf32, #tpu.memory_space<vmem>>, %arg2: memref<1000x128xf32, #tpu.memory_space<vmem>>, %arg3: memref<1000x8xf32, #tpu.memory_space<vmem>>, %arg4: memref<256x128xf32, #tpu.memory_space<vmem>>, %arg5: memref<1x128xf32, #tpu.memory_space<vmem>>, %arg6: memref<1000x128xf32, #tpu.memory_space<vmem>>) attributes {dimension_semantics = [#tpu.dimension_semantics<arbitrary>], iteration_bounds = array<i64: 10>, scalar_prefetch = 0 : i64, scratch_operands = 0 : i64, tpu.core_type = #tpu.core_type<tc>, window_params = [{transform_indices = @transform_0, window_bounds = array<i64: 1000, 128>}, {transform_indices = @transform_1, window_bounds = array<i64: 1000, 128>}, {transform_indices = @transform_2, window_bounds = array<i64: 1000, 8>}, {pipeline_mode = #tpu.pipeline_mode<synchronous>, transform_indices = @transform_3, window_bounds = array<i64: 256, 128>}, {pipeline_mode = #tpu.pipeline_mode<synchronous>, transform_indices = @transform_4, window_bounds = array<i64: 1, 128>}, {transform_indices = @transform_5, window_bounds = array<i64: 1000, 128>}]} {
    %get3A = arith.constant 0 : index
    %get3A_0 = arith.constant 0 : index
    %get3A_1 = vector.load %arg3[%get3A, %get3A_0] : memref<1000x8xf32, #tpu.memory_space<vmem>>, vector<1000x1xf32>
    %get3A_2 = arith.constant 0 : index
    %get3A_3 = arith.constant 0 : index
    %get3A_4 = vector.load %arg2[%get3A_2, %get3A_3] : memref<1000x128xf32, #tpu.memory_space<vmem>>, vector<1000x128xf32>
    %max3A = arith.constant 1.000000e+00 : f32
    %max3A_5 = vector.broadcast %max3A : f32 to vector<1000x1xf32>
    %max3A_6 = arith.maximumf %get3A_1, %max3A_5 : vector<1000x1xf32>
    %div3A = vector.broadcast %max3A_6 : vector<1000x1xf32> to vector<1000x128xf32>
    %div3A_7 = arith.divf %get3A_4, %div3A : vector<1000x128xf32>
    %get3A_8 = arith.constant 0 : index
    %get3A_9 = arith.constant 0 : index
    %get3A_10 = vector.load %arg4[%get3A_8, %get3A_9] : memref<256x128xf32, #tpu.memory_space<vmem>>, vector<256x128xf32>
    %get3A_11 = arith.constant 0 : index
    %get3A_12 = arith.constant 0 : index
    %get3A_13 = vector.load %arg1[%get3A_11, %get3A_12] : memref<1000x128xf32, #tpu.memory_space<vmem>>, vector<1000x128xf32>
    %slice3A = vector.extract_strided_slice %get3A_10 {offsets = [0, 0], sizes = [128, 128], strides = [1, 1]} : vector<256x128xf32> to vector<128x128xf32>
    %dot_general3A = arith.constant dense<0.000000e+00> : vector<1000x128xf32>
    %dot_general3A_14 = tpu.matmul %get3A_13, %slice3A, %dot_general3A {dimension_numbers = #tpu.dot_dimension_numbers<[1], [0], [0], [1], [0, 0, 1, 1], [], []>, precision = #tpu.contract_precision<fp32>, transpose_lhs_hint = false} : vector<1000x128xf32>, vector<128x128xf32>, vector<1000x128xf32> -> vector<1000x128xf32>
    %slice3A_15 = vector.extract_strided_slice %get3A_10 {offsets = [128, 0], sizes = [128, 128], strides = [1, 1]} : vector<256x128xf32> to vector<128x128xf32>
    %dot_general3A_16 = arith.constant dense<0.000000e+00> : vector<1000x128xf32>
    %dot_general3A_17 = tpu.matmul %div3A_7, %slice3A_15, %dot_general3A_16 {dimension_numbers = #tpu.dot_dimension_numbers<[1], [0], [0], [1], [0, 0, 1, 1], [], []>, precision = #tpu.contract_precision<fp32>, transpose_lhs_hint = false} : vector<1000x128xf32>, vector<128x128xf32>, vector<1000x128xf32> -> vector<1000x128xf32>
    %add3A = arith.addf %dot_general3A_14, %dot_general3A_17 : vector<1000x128xf32>
    %get3A_18 = arith.constant 0 : index
    %get3A_19 = arith.constant 0 : index
    %get3A_20 = vector.load %arg5[%get3A_18, %get3A_19] : memref<1x128xf32, #tpu.memory_space<vmem>>, vector<1x128xf32>
    %add3A_21 = vector.broadcast %get3A_20 : vector<1x128xf32> to vector<1000x128xf32>
    %add3A_22 = arith.addf %add3A, %add3A_21 : vector<1000x128xf32>
    %max3A_23 = arith.constant 0.000000e+00 : f32
    %max3A_24 = vector.broadcast %max3A_23 : f32 to vector<1000x128xf32>
    %max3A_25 = arith.maximumf %add3A_22, %max3A_24 : vector<1000x128xf32>
    %swap3A = arith.constant 0 : index
    %swap3A_26 = arith.constant 0 : index
    %swap3A_27 = vector.load %arg6[%swap3A, %swap3A_26] : memref<1000x128xf32, #tpu.memory_space<vmem>>, vector<1000x128xf32>
    tpu.vector_store %arg6[%swap3A, %swap3A_26], %max3A_25 {strides = array<i32>} : memref<1000x128xf32, #tpu.memory_space<vmem>>, vector<1000x128xf32>,
    return
  }
  func.func @transform_0(%arg0: i32) -> (i32, i32) {
    %c0_i32 = arith.constant 0 : i32
    %c0_i32_0 = arith.constant 0 : i32
    return %arg0, %c0_i32 : i32, i32
  }
  func.func @transform_1(%arg0: i32) -> (i32, i32) {
    %c0_i32 = arith.constant 0 : i32
    %c0_i32_0 = arith.constant 0 : i32
    return %arg0, %c0_i32 : i32, i32
  }
  func.func @transform_2(%arg0: i32) -> (i32, i32) {
    %c0_i32 = arith.constant 0 : i32
    %c0_i32_0 = arith.constant 0 : i32
    return %arg0, %c0_i32 : i32, i32
  }
  func.func @transform_3(%arg0: i32) -> (i32, i32) {
    %c0_i32 = arith.constant 0 : i32
    %c0_i32_0 = arith.constant 0 : i32
    %c0_i32_1 = arith.constant 0 : i32
    return %c0_i32, %c0_i32_0 : i32, i32
  }
  func.func @transform_4(%arg0: i32) -> (i32, i32) {
    %c0_i32 = arith.constant 0 : i32
    %c0_i32_0 = arith.constant 0 : i32
    %c0_i32_1 = arith.constant 0 : i32
    return %c0_i32, %c0_i32_0 : i32, i32
  }
  func.func @transform_5(%arg0: i32) -> (i32, i32) {
    %c0_i32 = arith.constant 0 : i32
    %c0_i32_0 = arith.constant 0 : i32
    return %arg0, %c0_i32 : i32, i32
  }
}

module attributes {stable_mosaic.version = 14 : i64} {
  func.func @_edge_mlp_body(%arg0: i32, %arg1: memref<3200x128xf32, #tpu.memory_space<vmem>>, %arg2: memref<3200x128xf32, #tpu.memory_space<vmem>>, %arg3: memref<128x256xbf16, #tpu.memory_space<vmem>>, %arg4: memref<128x256xbf16, #tpu.memory_space<vmem>>, %arg5: memref<1x256xf32, #tpu.memory_space<vmem>>, %arg6: memref<3200x256xf32, #tpu.memory_space<vmem>>) attributes {dimension_semantics = [#tpu.dimension_semantics<arbitrary>], iteration_bounds = array<i64: 100>, scalar_prefetch = 0 : i64, scratch_operands = 0 : i64, tpu.core_type = #tpu.core_type<tc>, window_params = [{transform_indices = @transform_0, window_bounds = array<i64: 3200, 128>}, {transform_indices = @transform_1, window_bounds = array<i64: 3200, 128>}, {pipeline_mode = #tpu.pipeline_mode<synchronous>, transform_indices = @transform_2, window_bounds = array<i64: 128, 256>}, {pipeline_mode = #tpu.pipeline_mode<synchronous>, transform_indices = @transform_3, window_bounds = array<i64: 128, 256>}, {pipeline_mode = #tpu.pipeline_mode<synchronous>, transform_indices = @transform_4, window_bounds = array<i64: 1, 256>}, {transform_indices = @transform_5, window_bounds = array<i64: 3200, 256>}]} {
    %get3A = arith.constant 0 : index
    %get3A_0 = arith.constant 0 : index
    %get3A_1 = vector.load %arg1[%get3A, %get3A_0] : memref<3200x128xf32, #tpu.memory_space<vmem>>, vector<3200x128xf32>
    %convert_element_type3A = arith.truncf %get3A_1 : vector<3200x128xf32> to vector<3200x128xbf16>
    %get3A_2 = arith.constant 0 : index
    %get3A_3 = arith.constant 0 : index
    %get3A_4 = vector.load %arg3[%get3A_2, %get3A_3] : memref<128x256xbf16, #tpu.memory_space<vmem>>, vector<128x256xbf16>
    %dot_general3A = arith.constant dense<0.000000e+00> : vector<3200x256xf32>
    %dot_general3A_5 = tpu.matmul %convert_element_type3A, %get3A_4, %dot_general3A {dimension_numbers = #tpu.dot_dimension_numbers<[1], [0], [0], [1], [0, 0, 1, 1], [], []>, transpose_lhs_hint = false} : vector<3200x128xbf16>, vector<128x256xbf16>, vector<3200x256xf32> -> vector<3200x256xf32>
    %get3A_6 = arith.constant 0 : index
    %get3A_7 = arith.constant 0 : index
    %get3A_8 = vector.load %arg2[%get3A_6, %get3A_7] : memref<3200x128xf32, #tpu.memory_space<vmem>>, vector<3200x128xf32>
    %convert_element_type3A_9 = arith.truncf %get3A_8 : vector<3200x128xf32> to vector<3200x128xbf16>
    %get3A_10 = arith.constant 0 : index
    %get3A_11 = arith.constant 0 : index
    %get3A_12 = vector.load %arg4[%get3A_10, %get3A_11] : memref<128x256xbf16, #tpu.memory_space<vmem>>, vector<128x256xbf16>
    %dot_general3A_13 = arith.constant dense<0.000000e+00> : vector<3200x256xf32>
    %dot_general3A_14 = tpu.matmul %convert_element_type3A_9, %get3A_12, %dot_general3A_13 {dimension_numbers = #tpu.dot_dimension_numbers<[1], [0], [0], [1], [0, 0, 1, 1], [], []>, transpose_lhs_hint = false} : vector<3200x128xbf16>, vector<128x256xbf16>, vector<3200x256xf32> -> vector<3200x256xf32>
    %add3A = arith.addf %dot_general3A_5, %dot_general3A_14 : vector<3200x256xf32>
    %get3A_15 = arith.constant 0 : index
    %get3A_16 = arith.constant 0 : index
    %get3A_17 = vector.load %arg5[%get3A_15, %get3A_16] : memref<1x256xf32, #tpu.memory_space<vmem>>, vector<1x256xf32>
    %add3A_18 = vector.broadcast %get3A_17 : vector<1x256xf32> to vector<3200x256xf32>
    %add3A_19 = arith.addf %add3A, %add3A_18 : vector<3200x256xf32>
    %swap3A = arith.constant 0 : index
    %swap3A_20 = arith.constant 0 : index
    %swap3A_21 = vector.load %arg6[%swap3A, %swap3A_20] : memref<3200x256xf32, #tpu.memory_space<vmem>>, vector<3200x256xf32>
    tpu.vector_store %arg6[%swap3A, %swap3A_20], %add3A_19 {strides = array<i32>} : memref<3200x256xf32, #tpu.memory_space<vmem>>, vector<3200x256xf32>,
    return
  }
  func.func @transform_0(%arg0: i32) -> (i32, i32) {
    %c0_i32 = arith.constant 0 : i32
    %c0_i32_0 = arith.constant 0 : i32
    return %arg0, %c0_i32 : i32, i32
  }
  func.func @transform_1(%arg0: i32) -> (i32, i32) {
    %c0_i32 = arith.constant 0 : i32
    %c0_i32_0 = arith.constant 0 : i32
    return %arg0, %c0_i32 : i32, i32
  }
  func.func @transform_2(%arg0: i32) -> (i32, i32) {
    %c0_i32 = arith.constant 0 : i32
    %c0_i32_0 = arith.constant 0 : i32
    %c0_i32_1 = arith.constant 0 : i32
    return %c0_i32, %c0_i32_0 : i32, i32
  }
  func.func @transform_3(%arg0: i32) -> (i32, i32) {
    %c0_i32 = arith.constant 0 : i32
    %c0_i32_0 = arith.constant 0 : i32
    %c0_i32_1 = arith.constant 0 : i32
    return %c0_i32, %c0_i32_0 : i32, i32
  }
  func.func @transform_4(%arg0: i32) -> (i32, i32) {
    %c0_i32 = arith.constant 0 : i32
    %c0_i32_0 = arith.constant 0 : i32
    %c0_i32_1 = arith.constant 0 : i32
    return %c0_i32, %c0_i32_0 : i32, i32
  }
  func.func @transform_5(%arg0: i32) -> (i32, i32) {
    %c0_i32 = arith.constant 0 : i32
    %c0_i32_0 = arith.constant 0 : i32
    return %arg0, %c0_i32 : i32, i32
  }
}

</mosaic_0001>

<sc_bundles>
// kernel: kernel.6.cloned.1.call-start
scs
__scs_entry_jumppad:
0x0: {  	(pc) =	sbr.rel $0x88, $3  }
0x1: {  	(tag) =	ssettag $0x0;
	lr =	simm.s32 $0x1  }
0x2: {  	[smem:$0x3F9A] =	sst lr;
	_ =	strace $0xD0000000  }
0x3: {  	_ = 	snop  }
0x4: {  	_ = 	snop  }
0x5: {  	_ = 	snop  }
0x6: {  	_ = 	snop  }
0x7: {  	_ = 	snop  }
__scs_overlays_trampoline_lowered:
0x8: {  	[smem:$0x3FA9] =	sst s0  }
0x9: {  	[smem:$0x3FAA] =	sst s1  }
0xa: {  	[smem:$0x3FAB] =	sst s2  }
0xb: {  	[smem:$0x3FAC] =	sst s3  }
0xc: {  	[smem:$0x3FAD] =	sst s4  }
0xd: {  	[smem:$0x3FAE] =	sst s5  }
0xe: {  	[smem:$0x3FAF] =	sst s6  }
0xf: {  	[smem:$0x3FB0] =	sst s7  }
0x10: {  	[smem:$0x3FB1] =	sst s8  }
0x11: {  	[smem:$0x3FB2] =	sst s9;
	s0 =	simm.s32 @!p0 $0x0  }
0x12: {  	s1 =	sld [smem:$0x3F98];
	s0 =	simm.s32 @p0 $0x1  }
0x13: {  	[smem:$0x3FB3] =	sst s0;
	s0 =	simm.s32 @!p1 $0x0  }
0x14: {  	s2 =	sld [smem:$0x3F97];
	s0 =	simm.s32 @p1 $0x1  }
0x15: {  	[smem:$0x3FB4] =	sst s0;
	s0 =	simm.s32 @!p2 $0x0  }
0x16: {  	s3 =	sld [smem:$0x3FDB];
	s0 =	simm.s32 @p2 $0x1  }
0x17: {  	s4 =	simm.s32 $0x1BF5;
	[smem:$0x3FB6] =	sst s0  }
0x18: {  	s0 =	sld [smem:$0x3F99];
	_ =	swait.ge [sflag:s4], $0x0  }
0x19: {  	s7 =	sld [smem:$0x3F9A]  }
0x1a: {  	s8 =	sadd.s32 $0xFFFFE003, lr  }
0x1b: {  	s9 =	sadd.s32 $0xFFFFFEF7, lr;
	s5 =	simm.s32 $0xFFFFFFFF;
	p2 =	slt.u32 s8, $0xFFFFF086  }
0x1c: {  	p1 =	slt.u32 s9, $0xF7A;
	s5 =	simm.s32 @!p2 $0x0  }
0x1d: {  	s5 =	simm.s32 @p1 $0x1;
	p0 =	seq.s32 s7, s2  }
0x1e: {  	s7 =	smul.u32 @!p0 $0xF7A, s2;
	p2 =	seq.s32 @!p0 s5, $0x0  }
0x1f: {  	s9 =	smul.u32 $0xF7A, s1;
	s8 =	simm.s32 @!p0 $0x1BF5;
	p2 =	por !p2, p0  }
0x20: {  	[sflag:s8] =	ssyncset.s32 @!p0 $0xFFFFF086;
	s6 =	sadd.s32 @!p0 s3, s7;
	s7 =	simm.s32 @!p0 $0x108  }
0x21: {  	s3 =	sadd.s32 s3, s9;
	s6 =	sadd.s32 @!p0 $0x88, s6;
	s7 =	simm.s32 @p2 $0x1082  }
0x22: {  	[simem:s7], [sflag:s8] =	dma.local @!p0 [hbm:s6], $0xF7A  }
0x23: {  	s9 =	sor.u32 $0xD0000000, s2;
	s6 =	simm.s32 $0x108;
	_ =	swait.ge @!p0 [sflag:s8], $0x0  }
0x24: {  	s3 =	sadd.s32 $0x88, s3;
	s6 =	simm.s32 @!p1 $0x1082;
	[sflag:s4] =	ssyncset.s32 $0xFFFFF086  }
0x25: {  	[simem:s6], [sflag:s4] =	dma.local [hbm:s3], $0xF7A  }
0x26: {  	[smem:$0x3F9A] =	sst s1;
	(tag) =	ssettag s2;
	_ =	strace s9  }
0x27: {  	s1 =	sld [smem:$0x3FAA]  }
0x28: {  	s2 =	sld [smem:$0x3FAB]  }
0x29: {  	s4 =	sld [smem:$0x3FAD]  }
0x2a: {  	p0 =	seq.s32 s5, $0x0;
	s5 =	sld [smem:$0x3FAE]  }
0x2b: {  	s6 =	sld [smem:$0x3FAF]  }
0x2c: {  	s7 =	sld [smem:$0x3FB0]  }
0x2d: {  	s3 =	simm.s32 $0x108;
	s8 =	sld [smem:$0x3FB1]  }
0x2e: {  	s3 =	simm.s32 @!p0 $0x1082;
	s9 =	sld [smem:$0x3FB2]  }
0x2f: {  	lr =	sadd.s32 s0, s3;
	s0 =	sld [smem:$0x3FA9]  }
0x30: {  	s3 =	sld [smem:$0x3FAC]  }
0x31: {  	[smem:$0x3FB5] =	sst s10  }
0x32: {  	s10 =	sld [smem:$0x3FB3];
	_ =	sdelay $0x3  }
0x33: {  	p0 =	seq.s32 s10, $0x1;
	s10 =	sld [smem:$0x3FB5];
	_ =	sdelay $0x3  }
0x34: {  	[smem:$0x3FB5] =	sst s10  }
0x35: {  	s10 =	sld [smem:$0x3FB4];
	_ =	sdelay $0x3  }
0x36: {  	p1 =	seq.s32 s10, $0x1;
	s10 =	sld [smem:$0x3FB5];
	_ =	sdelay $0x3  }
0x37: {  	[smem:$0x3FB5] =	sst s10  }
0x38: {  	s10 =	sld [smem:$0x3FB6]  }
0x39: {  	_ = 	snop;
	(pc) =	sbr.ind lr, $3  }
0x3a: {  	_ = 	snop  }
0x3b: {  	_ = 	snop  }
0x3c: {  	p2 =	seq.s32 s10, $0x1;
	s10 =	sld [smem:$0x3FB5]  }
0x3d: {  	_ =	shalt  }
0x3e: {  	_ =	shalt  }
0x3f: {  	_ =	shalt  }
0x40: {  	_ =	shalt  }
0x41: {  	_ =	shalt  }
0x42: {  	_ =	shalt  }
0x43: {  	_ =	shalt  }
0x44: {  	_ =	shalt  }
0x45: {  	_ =	shalt  }
0x46: {  	_ =	shalt  }
0x47: {  	_ =	shalt  }
0x48: {  	_ =	shalt  }
0x49: {  	_ =	shalt  }
0x4a: {  	_ =	shalt  }
0x4b: {  	_ =	shalt  }
0x4c: {  	_ =	shalt  }
0x4d: {  	_ =	shalt  }
0x4e: {  	_ =	shalt  }
0x4f: {  	_ =	shalt  }
0x50: {  	_ =	shalt  }
0x51: {  	_ =	shalt  }
0x52: {  	_ =	shalt  }
0x53: {  	_ =	shalt  }
0x54: {  	_ =	shalt  }
0x55: {  	_ =	shalt  }
0x56: {  	_ =	shalt  }
0x57: {  	_ =	shalt  }
0x58: {  	_ =	shalt  }
0x59: {  	_ =	shalt  }
0x5a: {  	_ =	shalt  }
0x5b: {  	_ =	shalt  }
0x5c: {  	_ =	shalt  }
0x5d: {  	_ =	shalt  }
0x5e: {  	_ =	shalt  }
0x5f: {  	_ =	shalt  }
0x60: {  	_ =	shalt  }
0x61: {  	_ =	shalt  }
0x62: {  	_ =	shalt  }
0x63: {  	_ =	shalt  }
0x64: {  	_ =	shalt  }
0x65: {  	_ =	shalt  }
0x66: {  	_ =	shalt  }
0x67: {  	_ =	shalt  }
0x68: {  	_ =	shalt  }
0x69: {  	_ =	shalt  }
0x6a: {  	_ =	shalt  }
0x6b: {  	_ =	shalt  }
0x6c: {  	_ =	shalt  }
0x6d: {  	_ =	shalt  }
0x6e: {  	_ =	shalt  }
0x6f: {  	_ =	shalt  }
0x70: {  	_ =	shalt  }
0x71: {  	_ =	shalt  }
0x72: {  	_ =	shalt  }
0x73: {  	_ =	shalt  }
0x74: {  	_ =	shalt  }
0x75: {  	_ =	shalt  }
0x76: {  	_ =	shalt  }
0x77: {  	_ =	shalt  }
0x78: {  	_ =	shalt  }
0x79: {  	_ =	shalt  }
0x7a: {  	_ =	shalt  }
0x7b: {  	_ =	shalt  }
0x7c: {  	_ =	shalt  }
0x7d: {  	_ =	shalt  }
0x7e: {  	_ =	shalt  }
0x7f: {  	_ =	shalt  }
0x80: {  	_ =	shalt  }
0x81: {  	_ =	shalt  }
0x82: {  	_ =	shalt  }
0x83: {  	_ =	shalt  }
0x84: {  	_ =	shalt  }
0x85: {  	_ =	shalt  }
0x86: {  	_ =	shalt  }
0x87: {  	_ =	shalt  }
.Lfunc_end0:
.L_simem_size_0:
called_computation.1_lowered:
.L_overlay_start_0:
0x88: {  	s2 =	sld [smem:$0x3FD9]  }
0x89: {  	s3 =	sld [smem:$0x3FFE];
	_ =	sdelay $0x1  }
0x8a: {  	s1 =	srdreg.scid  }
0x8b: {  	s0 =	sand.u32 $0x1, s1  }
0x8c: {  	s14 =	sshll.u32 s0, $0xA;
	s2 =	sadd.s32 s3, s2  }
0x8d: {  	s2 =	sadd.s32 s2, s14  }
0x8e: {  	[smem:$0x3FC1] =	sst s2  }
0x8f: {  	_ = 	snop  }
0x90: {  	s2 =	sld [smem:$0x3FD0];
	_ =	sdelay $0x2  }
0x91: {  	s15 =	simm.s32 $0xA;
	s4 =	simm.s32 $0x10  }
0x92: {  	[smem:s4], [sflag:s15] =	dma.local [hbm:s2], $0x1  }
0x93: {  	_ =	swait.eq [sflag:s15], $0x1  }
0x94: {  	[sflag:s15] =	ssyncset.done $0x0  }
0x95: {  	s16 =	sld [smem:$0x10];
	[sflag:s15] =	ssyncadd.s32 $0xFFFFFFFF  }
0x96: {  	s17 =	sld [smem:$0x11];
	(tm) =	ssettm $0x1  }
0x97: {  	s18 =	sld [smem:$0x3FFB];
	_ =	sdelay $0x3  }
0x98: {  	_ =	strace s18  }
0x99: {  	s4 =	sld [smem:$0x3FFC];
	_ =	sdelay $0x3  }
0x9a: {  	_ =	strace s4  }
0x9b: {  	s4 =	sld [smem:$0x3FFD];
	_ =	sdelay $0x3  }
0x9c: {  	_ =	strace s4  }
0x9d: {  	_ =	strace $0x8FFFFFFF  }
0x9e: {  	s19 =	sld [smem:$0x3FDB];
	_ =	sdelay $0x1  }
0x9f: {  	s5 =	simm.s32 $_scs_section_size  }
0xa0: {  	s6 =	simm.s32 $_size__tile_overlayer_lowered;
	s7 =	simm.s32 $_tile_overlayer_lowered  }
0xa1: {  	s22 =	simm.s32 $0x1BFF;
	s21 =	sshll.u32 s7, $0x1;
	s4 =	sadd.s32 s5, s19  }
0xa2: {  	s8 =	simm.s32 $0x0;
	s20 =	sshll.u32 s6, $0x1;
	s6 =	sadd.s32 s21, s4  }
0xa3: {  	[timem:s8], [sflag:s22] =	dma.local [hbm:s6], s20  }
0xa4: {  	_ =	swait.ge [sflag:s22], s20  }
0xa5: {  	s5 =	ssub.s32 $0x0, s20;
	[sflag:s22] =	ssyncset.done $0x0  }
0xa6: {  	[sflag:s22] =	ssyncadd.s32 s5;
	_ =	sdelay $0x1  }
0xa7: {  	s23 =	simm.s32 $0x1B8B  }
0xa8: {  	_ =	swait.ge [sflag:s23], $0x1  }
0xa9: {  	[sflag:s23] =	ssyncset.done $0x0  }
0xaa: {  	s25 =	simm.s32 $0x1B8E;
	s24 =	sld [smem:$0x3FFE];
	[sflag:s23] =	ssyncadd.s32 $0xFFFFFFFF  }
0xab: {  	s26 =	simm.s32 $execute0_lowered;
	[smem:$0x3FD2] =	sst s25  }
0xac: {  	s6 =	sshll.u32 s26, $0x1;
	_ =	strace $0x80000046;
	[dreg:$0x1] =	wrdreg $0xFFFFFFFF  }
0xad: {  	s28 =	simm.s32 $_size_execute0_lowered;
	s4 =	sadd.s32 s4, s6;
	[dreg:$0x0] =	wrdreg $0x0  }
0xae: {  	s6 =	sshll.u32 s28, $0x1;
	[dreg:$0x2] =	wrdreg s4  }
0xaf: {  	[dreg:$0x3] =	wrdreg s6  }
0xb0: {  	[dreg:$0x4] =	wrdreg $0xC0  }
0xb1: {  	_ =	task [dreg:s8], $0x5FFFF  }
0xb2: {  	[dreg:$0x1] =	wrdreg $0xFFFFFFFF  }
0xb3: {  	[dreg:$0x0] =	wrdreg $0x60  }
0xb4: {  	[dreg:$0x2] =	wrdreg s16  }
0xb5: {  	[dreg:$0x3] =	wrdreg s24  }
0xb6: {  	[dreg:$0x4] =	wrdreg s17  }
0xb7: {  	[dreg:$0x5] =	wrdreg $0x9  }
0xb8: {  	_ =	task.clear_ibuf [dreg:s8], $0x6FFFF;
	_ =	strace $0x90000046  }
0xb9: {  	s29 =	simm.s32 $0x9;
	_ =	strace $0x80000048  }
0xba: {  	_ =	swait.ge [sflag:s29], $0x1  }
0xbb: {  	[sflag:s29] =	ssyncadd.s32 $0xFFFFFFFF  }
0xbc: {  	_ =	strace $0x90000048  }
0xbd: {  	_ =	sfence  }
0xbe: {  	s30 =	sld [smem:$0x0];
	_ =	sdelay $0x2  }
0xbf: {  	s31 =	sshll.u32 s1, $0xD;
	s1 =	sshrl.u32 s1, $0x2  }
0xc0: {  	s3 =	sand.u32 $0x4000, s31;
	s1 =	sadd.s32 s1, s30  }
0xc1: {  	s0 =	sor.u32 s3, s0;
	s1 =	sshll.u32 s1, $0x11  }
0xc2: {  	s0 =	sor.u32 s1, s0  }
0xc3: {  	s0 =	sadd.s32 $0x8F2B, s0  }
0xc4: {  	[sflag:s0] =	ssyncadd.remote.s32 $0x1  }
0xc5: {  	_ =	sfence.sel $0xFFFF  }
0xc6: {  	[dreg:$0x0] =	wrdreg $0xFFFFFFFF;
	(pc) =	sbr.abs _section_cstart, $3  }
0xc7: {  	[dreg:$0x1] =	wrdreg $0xFFFFFFFF  }
0xc8: {  	_ =	task.clear_ibuf [dreg:s8], $0x2FFFF;
	_ =	strace $0x9FFFFFFF  }
0xc9: {  	(tm) =	ssettm $0x7FFFFFFF  }
tec
execute0_lowered:
.L_overlay_start_1:
0x0: {  	(tag) =	ssettag $0x1  }
0x1: {  	s1 =	rddreg [dreg:$0x0];
	s0 =	srdreg.scid  }
0x2: {  	s7 =	stileid.u32;
	s2 =	rddreg [dreg:$0x1]  }
0x3: {  	s5 =	rddreg [dreg:$0x2];
	s3 =	simm.s32 $0x0;
	s9 =	simm.s32 $0x50  }
0x4: {  	s10 =	simm.s32 $0x400;
	s11 =	simm.s32 $0xCC00;
	s31 =	simm.s32 $0x2C00  }
0x5: {  	s12 =	simm.s32 $0x250;
	s13 =	simm.s32 $0xF400;
	s14 =	simm.s32 $0xA0  }
0x6: {  	s15 =	simm.s32 $0x5400;
	s16 =	simm.s32 $0x2A0;
	s17 =	simm.s32 $0x11C00  }
0x7: {  	s18 =	simm.s32 $0xF0;
	s19 =	simm.s32 $0x7C00;
	s20 =	simm.s32 $0x2F0  }
0x8: {  	s21 =	simm.s32 $0x14400;
	s22 =	simm.s32 $0x140;
	s23 =	simm.s32 $0xA400  }
0x9: {  	s24 =	simm.s32 $0x340;
	s28 =	simm.s32 $0x2;
	s4 =	smul.u32 $0x4E20, s7  }
0xa: {  	s29 =	simm.s32 $0x0;
	s0 =	sand.u32 $0x1, s0;
	s25 =	smul.u32 $0x4E200, s7  }
0xb: {  	[smem:$0x7FF] =	sst s3;
	s6 =	smul.u32 $0x2710, s0;
	s26 =	ssub.s32 $0x2, s0  }
0xc: {  	_ =	strace $0x80000047;
	s0 =	smul.u32 $0x27100, s0;
	[dreg:$0x6] =	wrdreg s31  }
0xd: {  	s8 =	sshrl.u32 s26, $0x1;
	s5 =	sadd.s32 s25, s5;
	s4 =	sadd.s32 s6, s4  }
0xe: {  	s7 =	ssub.s32 s26, s8;
	s8 =	simm.s32 $0x200;
	s4 =	sshrl.u32 s4, $0x3  }
0xf: {  	s26 =	simm.s32 $0x1;
	s7 =	smax.u32 s7, $0x1;
	s4 =	sadd.s32 s4, s2  }
0x10: {  	s2 =	sadd.s32 s25, s2;
	[dreg:$0x7] =	wrdreg s7;
	s30 =	sadd.s32 $0xB600, s4  }
0x11: {  	s2 =	sadd.s32 s0, s2;
	s0 =	sadd.s32 s0, s5;
	[dreg:$0x4] =	wrdreg s30  }
0x12: {  	s7 =	simm.s32 $0x3;
	s4 =	sadd.s32 $0x1800, s4;
	[dreg:$0x8] =	wrdreg s0  }
0x13: {  	s25 =	simm.s32 $0x16C00;
	s6 =	sadd.s32 $0x15400, s2;
	[dreg:$0x5] =	wrdreg s4  }
.LBB2_1:
0x14: {  	s0 =	rddreg [dreg:$0x5]  }
0x15: {  	s0 =	sadd.s32 $0x0, s0  }
0x16: {  	[tilespmem:s3], [sflag:$0x3] =	stream.linear.gather [hbm4b:s0+s3], $0x190, $0x38;
	[tilespmem:$0x19400] =	vst v63  }
0x17: {  	_ =	swait.ge [sflag:s7], $0x190  }
0x18: {  	s4 =	rddreg [dreg:$0x4];
	[sflag:s7] =	ssyncset.done $0x0  }
0x19: {  	[sflag:s7] =	ssyncadd.s32 $0xFFFFFE70;
	s0 =	sadd.s32 $0x0, s4  }
0x1a: {  	[tilespmem:s8], [sflag:$0x3] =	stream.linear.gather [hbm4b:s0+s3], $0x190, $0x38;
	[tilespmem:$0x19400] =	vst v63  }
0x1b: {  	_ =	swait.ge [sflag:s7], $0x190  }
0x1c: {  	[sflag:s7] =	ssyncset.done $0x0  }
0x1d: {  	[sflag:s7] =	ssyncadd.s32 $0xFFFFFE70  }
0x1e: {  	[tilespmem:s10], [sflag:$0x1] =	stream.indirect.gather [hbm4b:s1+s9], $0x80, s3, s9, $0xb8;
	[tilespmem:$0x19400] =	vst v63  }
0x1f: {  	_ = 	snop  }
0x20: {  	[tilespmem:s11], [sflag:$0x2] =	stream.indirect.gather [hbm4b:s1+s9], $0x80, s8, s9, $0xb8;
	[tilespmem:$0x19400] =	vst v63  }
0x21: {  	s5 =	rddreg [dreg:$0x6]  }
0x22: {  	[tilespmem:s5], [sflag:$0x1] =	stream.indirect.gather [hbm4b:s1+s9], $0x80, s9, s9, $0xb8;
	[tilespmem:$0x19400] =	vst v63  }
0x23: {  	_ = 	snop  }
0x24: {  	[tilespmem:s13], [sflag:$0x2] =	stream.indirect.gather [hbm4b:s1+s9], $0x80, s12, s9, $0xb8;
	[tilespmem:$0x19400] =	vst v63  }
0x25: {  	_ = 	snop  }
0x26: {  	[tilespmem:s15], [sflag:$0x1] =	stream.indirect.gather [hbm4b:s1+s9], $0x80, s14, s9, $0xb8;
	[tilespmem:$0x19400] =	vst v63  }
0x27: {  	_ = 	snop  }
0x28: {  	[tilespmem:s17], [sflag:$0x2] =	stream.indirect.gather [hbm4b:s1+s9], $0x80, s16, s9, $0xb8;
	[tilespmem:$0x19400] =	vst v63  }
0x29: {  	_ = 	snop  }
0x2a: {  	[tilespmem:s19], [sflag:$0x1] =	stream.indirect.gather [hbm4b:s1+s9], $0x80, s18, s9, $0xb8;
	[tilespmem:$0x19400] =	vst v63  }
0x2b: {  	_ = 	snop  }
0x2c: {  	[tilespmem:s21], [sflag:$0x2] =	stream.indirect.gather [hbm4b:s1+s9], $0x80, s20, s9, $0xb8;
	[tilespmem:$0x19400] =	vst v63  }
0x2d: {  	_ = 	snop  }
0x2e: {  	[tilespmem:s23], [sflag:$0x1] =	stream.indirect.gather [hbm4b:s1+s9], $0x80, s22, s9, $0xb8;
	[tilespmem:$0x19400] =	vst v63  }
0x2f: {  	_ = 	snop  }
0x30: {  	[tilespmem:s25], [sflag:$0x2] =	stream.indirect.gather [hbm4b:s1+s9], $0x80, s24, s9, $0xb8;
	[tilespmem:$0x19400] =	vst v63  }
0x31: {  	_ =	swait.ge [sflag:s26], $0x2800  }
0x32: {  	[sflag:s26] =	ssyncset.done $0x0  }
0x33: {  	[sflag:s26] =	ssyncadd.s32 $0xFFFFD800  }
0x34: {  	_ =	swait.ge [sflag:s28], $0x2800  }
0x35: {  	[sflag:s28] =	ssyncset.done $0x0  }
0x36: {  	[sflag:s28] =	ssyncadd.s32 $0xFFFFD800  }
0x37: {  	_ =	swait.ge [sflag:s26], $0x2800  }
0x38: {  	[sflag:s26] =	ssyncset.done $0x0  }
0x39: {  	[sflag:s26] =	ssyncadd.s32 $0xFFFFD800  }
0x3a: {  	_ =	swait.ge [sflag:s28], $0x2800  }
0x3b: {  	[sflag:s28] =	ssyncset.done $0x0  }
0x3c: {  	[sflag:s28] =	ssyncadd.s32 $0xFFFFD800  }
0x3d: {  	_ =	swait.ge [sflag:s26], $0x2800  }
0x3e: {  	[sflag:s26] =	ssyncset.done $0x0  }
0x3f: {  	[sflag:s26] =	ssyncadd.s32 $0xFFFFD800  }
0x40: {  	_ =	swait.ge [sflag:s28], $0x2800  }
0x41: {  	[sflag:s28] =	ssyncset.done $0x0  }
0x42: {  	[sflag:s28] =	ssyncadd.s32 $0xFFFFD800  }
0x43: {  	_ =	swait.ge [sflag:s26], $0x2800  }
0x44: {  	[sflag:s26] =	ssyncset.done $0x0  }
0x45: {  	[sflag:s26] =	ssyncadd.s32 $0xFFFFD800  }
0x46: {  	_ =	swait.ge [sflag:s28], $0x2800  }
0x47: {  	[sflag:s28] =	ssyncset.done $0x0  }
0x48: {  	[sflag:s28] =	ssyncadd.s32 $0xFFFFD800  }
0x49: {  	_ =	swait.ge [sflag:s26], $0x2800  }
0x4a: {  	[sflag:s26] =	ssyncset.done $0x0  }
0x4b: {  	[sflag:s26] =	ssyncadd.s32 $0xFFFFD800  }
0x4c: {  	_ =	swait.ge [sflag:s28], $0x2800  }
0x4d: {  	[sflag:s28] =	ssyncset.done $0x0  }
0x4e: {  	s31 =	rddreg [dreg:$0x8];
	[sflag:s28] =	ssyncadd.s32 $0xFFFFD800  }
0x4f: {  	[hbm4b:s31+s3] =	stream.linear.scatter [tilespmem:s10], [sflag:$0x3], $0xC800, $0x38;
	[tilespmem:$0x19400] =	vst v63  }
0x50: {  	_ =	swait.ge [sflag:s7], $0xC800  }
0x51: {  	[sflag:s7] =	ssyncset.done $0x0  }
0x52: {  	[sflag:s7] =	ssyncadd.s32 $0xFFFF3800  }
0x53: {  	[hbm4b:s6+s3] =	stream.linear.scatter [tilespmem:s11], [sflag:$0x3], $0xC800, $0x38;
	[tilespmem:$0x19400] =	vst v63  }
0x54: {  	s2 =	simm.s32 $0x32;
	s30 =	smov.u32 s6;
	_ =	swait.ge [sflag:s7], $0xC800  }
0x55: {  	s0 =	simm.s32 $0x64;
	s4 =	rddreg [dreg:$0x5];
	[sflag:s7] =	ssyncset.done $0x0  }
.LBB2_2:
0x56: {  	[sflag:s7] =	ssyncadd.s32 $0xFFFF3800;
	s4 =	sadd.s32 s2, s4  }
0x57: {  	[tilespmem:s3], [sflag:$0x3] =	stream.linear.gather [hbm4b:s4+s3], $0x190, $0x38;
	[tilespmem:$0x19400] =	vst v63  }
0x58: {  	_ =	swait.ge [sflag:s7], $0x190  }
0x59: {  	s4 =	rddreg [dreg:$0x4];
	[sflag:s7] =	ssyncset.done $0x0  }
0x5a: {  	[sflag:s7] =	ssyncadd.s32 $0xFFFFFE70;
	s4 =	sadd.s32 s2, s4  }
0x5b: {  	[tilespmem:s8], [sflag:$0x3] =	stream.linear.gather [hbm4b:s4+s3], $0x190, $0x38;
	[tilespmem:$0x19400] =	vst v63  }
0x5c: {  	_ =	swait.ge [sflag:s7], $0x190  }
0x5d: {  	[sflag:s7] =	ssyncset.done $0x0  }
0x5e: {  	[sflag:s7] =	ssyncadd.s32 $0xFFFFFE70  }
0x5f: {  	[tilespmem:s10], [sflag:$0x1] =	stream.indirect.gather [hbm4b:s1+s9], $0x80, s3, s9, $0xb8;
	[tilespmem:$0x19400] =	vst v63  }
0x60: {  	s5 =	smov.u32 s0  }
0x61: {  	[tilespmem:s11], [sflag:$0x2] =	stream.indirect.gather [hbm4b:s1+s9], $0x80, s8, s9, $0xb8;
	[tilespmem:$0x19400] =	vst v63  }
0x62: {  	s2 =	smov.u32 s5;
	s5 =	rddreg [dreg:$0x6]  }
0x63: {  	[tilespmem:s5], [sflag:$0x1] =	stream.indirect.gather [hbm4b:s1+s9], $0x80, s9, s9, $0xb8;
	[tilespmem:$0x19400] =	vst v63  }
0x64: {  	_ = 	snop  }
0x65: {  	[tilespmem:s13], [sflag:$0x2] =	stream.indirect.gather [hbm4b:s1+s9], $0x80, s12, s9, $0xb8;
	[tilespmem:$0x19400] =	vst v63  }
0x66: {  	_ = 	snop  }
0x67: {  	[tilespmem:s15], [sflag:$0x1] =	stream.indirect.gather [hbm4b:s1+s9], $0x80, s14, s9, $0xb8;
	[tilespmem:$0x19400] =	vst v63  }
0x68: {  	_ = 	snop  }
0x69: {  	[tilespmem:s17], [sflag:$0x2] =	stream.indirect.gather [hbm4b:s1+s9], $0x80, s16, s9, $0xb8;
	[tilespmem:$0x19400] =	vst v63  }
0x6a: {  	_ = 	snop  }
0x6b: {  	[tilespmem:s19], [sflag:$0x1] =	stream.indirect.gather [hbm4b:s1+s9], $0x80, s18, s9, $0xb8;
	[tilespmem:$0x19400] =	vst v63  }
0x6c: {  	_ = 	snop  }
0x6d: {  	[tilespmem:s21], [sflag:$0x2] =	stream.indirect.gather [hbm4b:s1+s9], $0x80, s20, s9, $0xb8;
	[tilespmem:$0x19400] =	vst v63  }
0x6e: {  	_ = 	snop  }
0x6f: {  	[tilespmem:s23], [sflag:$0x1] =	stream.indirect.gather [hbm4b:s1+s9], $0x80, s22, s9, $0xb8;
	[tilespmem:$0x19400] =	vst v63  }
0x70: {  	_ = 	snop  }
0x71: {  	[tilespmem:s25], [sflag:$0x2] =	stream.indirect.gather [hbm4b:s1+s9], $0x80, s24, s9, $0xb8;
	[tilespmem:$0x19400] =	vst v63  }
0x72: {  	_ =	swait.ge [sflag:s26], $0x2800  }
0x73: {  	[sflag:s26] =	ssyncset.done $0x0  }
0x74: {  	[sflag:s26] =	ssyncadd.s32 $0xFFFFD800  }
0x75: {  	_ =	swait.ge [sflag:s28], $0x2800  }
0x76: {  	[sflag:s28] =	ssyncset.done $0x0  }
0x77: {  	[sflag:s28] =	ssyncadd.s32 $0xFFFFD800  }
0x78: {  	_ =	swait.ge [sflag:s26], $0x2800  }
0x79: {  	[sflag:s26] =	ssyncset.done $0x0  }
0x7a: {  	[sflag:s26] =	ssyncadd.s32 $0xFFFFD800  }
0x7b: {  	_ =	swait.ge [sflag:s28], $0x2800  }
0x7c: {  	[sflag:s28] =	ssyncset.done $0x0  }
0x7d: {  	[sflag:s28] =	ssyncadd.s32 $0xFFFFD800  }
0x7e: {  	_ =	swait.ge [sflag:s26], $0x2800  }
0x7f: {  	[sflag:s26] =	ssyncset.done $0x0  }
0x80: {  	[sflag:s26] =	ssyncadd.s32 $0xFFFFD800  }
0x81: {  	_ =	swait.ge [sflag:s28], $0x2800  }
0x82: {  	[sflag:s28] =	ssyncset.done $0x0  }
0x83: {  	[sflag:s28] =	ssyncadd.s32 $0xFFFFD800  }
0x84: {  	_ =	swait.ge [sflag:s26], $0x2800  }
0x85: {  	[sflag:s26] =	ssyncset.done $0x0  }
0x86: {  	[sflag:s26] =	ssyncadd.s32 $0xFFFFD800  }
0x87: {  	_ =	swait.ge [sflag:s28], $0x2800  }
0x88: {  	[sflag:s28] =	ssyncset.done $0x0  }
0x89: {  	[sflag:s28] =	ssyncadd.s32 $0xFFFFD800  }
0x8a: {  	_ =	swait.ge [sflag:s26], $0x2800  }
0x8b: {  	[sflag:s26] =	ssyncset.done $0x0  }
0x8c: {  	[sflag:s26] =	ssyncadd.s32 $0xFFFFD800  }
0x8d: {  	_ =	swait.ge [sflag:s28], $0x2800  }
0x8e: {  	[sflag:s28] =	ssyncset.done $0x0  }
0x8f: {  	s31 =	sadd.s32 $0x1900, s31;
	[sflag:s28] =	ssyncadd.s32 $0xFFFFD800  }
0x90: {  	[hbm4b:s31+s3] =	stream.linear.scatter [tilespmem:s10], [sflag:$0x3], $0xC800, $0x38;
	[tilespmem:$0x19400] =	vst v63  }
0x91: {  	p0 =	sne.s32 s0, $0x4B0;
	_ =	swait.ge [sflag:s7], $0xC800  }
.Ltmp0:
0x92: {  	[sflag:s7] =	ssyncset.done $0x0;
	(pc) =	sbr.rel @p0 .LBB2_2-.Ltmp0, $4  }
0x93: {  	s30 =	sadd.s32 $0x1900, s30;
	[sflag:s7] =	ssyncadd.s32 $0xFFFF3800  }
0x94: {  	[hbm4b:s30+s3] =	stream.linear.scatter [tilespmem:s11], [sflag:$0x3], $0xC800, $0x38;
	[tilespmem:$0x19400] =	vst v63  }
0x95: {  	_ =	swait.ge [sflag:s7], $0xC800  }
0x96: {  	s0 =	sadd.s32 $0x32, s0;
	s4 =	rddreg [dreg:$0x5];
	[sflag:s7] =	ssyncset.done $0x0  }
0x97: {  	[sflag:s7] =	ssyncadd.s32 $0xFFFF3800;
	s0 =	sadd.s32 s2, s4  }
0x98: {  	[tilespmem:s3], [sflag:$0x3] =	stream.linear.gather [hbm4b:s0+s3], $0x190, $0x38;
	[tilespmem:$0x19400] =	vst v63  }
0x99: {  	_ =	swait.ge [sflag:s7], $0x190  }
0x9a: {  	s5 =	rddreg [dreg:$0x4];
	[sflag:s7] =	ssyncset.done $0x0  }
0x9b: {  	s0 =	sadd.s32 s2, s5;
	[sflag:s7] =	ssyncadd.s32 $0xFFFFFE70  }
0x9c: {  	[tilespmem:s8], [sflag:$0x3] =	stream.linear.gather [hbm4b:s0+s3], $0x190, $0x38;
	[tilespmem:$0x19400] =	vst v63  }
0x9d: {  	_ =	swait.ge [sflag:s7], $0x190  }
0x9e: {  	[sflag:s7] =	ssyncset.done $0x0  }
0x9f: {  	[sflag:s7] =	ssyncadd.s32 $0xFFFFFE70  }
0xa0: {  	[tilespmem:s10], [sflag:$0x1] =	stream.indirect.gather [hbm4b:s1+s9], $0x80, s3, s9, $0xb8;
	[tilespmem:$0x19400] =	vst v63  }
0xa1: {  	_ = 	snop  }
0xa2: {  	[tilespmem:s11], [sflag:$0x2] =	stream.indirect.gather [hbm4b:s1+s9], $0x80, s8, s9, $0xb8;
	[tilespmem:$0x19400] =	vst v63  }
0xa3: {  	s4 =	rddreg [dreg:$0x6]  }
0xa4: {  	[tilespmem:s4], [sflag:$0x1] =	stream.indirect.gather [hbm4b:s1+s9], $0x80, s9, s9, $0xb8;
	[tilespmem:$0x19400] =	vst v63  }
0xa5: {  	_ = 	snop  }
0xa6: {  	[tilespmem:s13], [sflag:$0x2] =	stream.indirect.gather [hbm4b:s1+s9], $0x80, s12, s9, $0xb8;
	[tilespmem:$0x19400] =	vst v63  }
0xa7: {  	_ = 	snop  }
0xa8: {  	[tilespmem:s15], [sflag:$0x1] =	stream.indirect.gather [hbm4b:s1+s9], $0x80, s14, s9, $0xb8;
	[tilespmem:$0x19400] =	vst v63  }
0xa9: {  	_ = 	snop  }
0xaa: {  	[tilespmem:s17], [sflag:$0x2] =	stream.indirect.gather [hbm4b:s1+s9], $0x80, s16, s9, $0xb8;
	[tilespmem:$0x19400] =	vst v63  }
0xab: {  	_ = 	snop  }
0xac: {  	[tilespmem:s19], [sflag:$0x1] =	stream.indirect.gather [hbm4b:s1+s9], $0x80, s18, s9, $0xb8;
	[tilespmem:$0x19400] =	vst v63  }
0xad: {  	_ = 	snop  }
0xae: {  	[tilespmem:s21], [sflag:$0x2] =	stream.indirect.gather [hbm4b:s1+s9], $0x80, s20, s9, $0xb8;
	[tilespmem:$0x19400] =	vst v63  }
0xaf: {  	_ = 	snop  }
0xb0: {  	[tilespmem:s23], [sflag:$0x1] =	stream.indirect.gather [hbm4b:s1+s9], $0x80, s22, s9, $0xb8;
	[tilespmem:$0x19400] =	vst v63  }
0xb1: {  	_ = 	snop  }
0xb2: {  	[tilespmem:s25], [sflag:$0x2] =	stream.indirect.gather [hbm4b:s1+s9], $0x80, s24, s9, $0xb8;
	[tilespmem:$0x19400] =	vst v63  }
0xb3: {  	_ =	swait.ge [sflag:s26], $0x2800  }
0xb4: {  	[sflag:s26] =	ssyncset.done $0x0  }
0xb5: {  	[sflag:s26] =	ssyncadd.s32 $0xFFFFD800  }
0xb6: {  	_ =	swait.ge [sflag:s28], $0x2800  }
0xb7: {  	[sflag:s28] =	ssyncset.done $0x0  }
0xb8: {  	[sflag:s28] =	ssyncadd.s32 $0xFFFFD800  }
0xb9: {  	_ =	swait.ge [sflag:s26], $0x2800  }
0xba: {  	[sflag:s26] =	ssyncset.done $0x0  }
0xbb: {  	[sflag:s26] =	ssyncadd.s32 $0xFFFFD800  }
0xbc: {  	_ =	swait.ge [sflag:s28], $0x2800  }
0xbd: {  	[sflag:s28] =	ssyncset.done $0x0  }
0xbe: {  	[sflag:s28] =	ssyncadd.s32 $0xFFFFD800  }
0xbf: {  	_ =	swait.ge [sflag:s26], $0x2800  }
0xc0: {  	[sflag:s26] =	ssyncset.done $0x0  }
0xc1: {  	[sflag:s26] =	ssyncadd.s32 $0xFFFFD800  }
0xc2: {  	_ =	swait.ge [sflag:s28], $0x2800  }
0xc3: {  	[sflag:s28] =	ssyncset.done $0x0  }
0xc4: {  	[sflag:s28] =	ssyncadd.s32 $0xFFFFD800  }
0xc5: {  	_ =	swait.ge [sflag:s26], $0x2800  }
0xc6: {  	[sflag:s26] =	ssyncset.done $0x0  }
0xc7: {  	[sflag:s26] =	ssyncadd.s32 $0xFFFFD800  }
0xc8: {  	_ =	swait.ge [sflag:s28], $0x2800  }
0xc9: {  	[sflag:s28] =	ssyncset.done $0x0  }
0xca: {  	[sflag:s28] =	ssyncadd.s32 $0xFFFFD800  }
0xcb: {  	_ =	swait.ge [sflag:s26], $0x2800  }
0xcc: {  	[sflag:s26] =	ssyncset.done $0x0  }
0xcd: {  	[sflag:s26] =	ssyncadd.s32 $0xFFFFD800  }
0xce: {  	_ =	swait.ge [sflag:s28], $0x2800  }
0xcf: {  	[sflag:s28] =	ssyncset.done $0x0  }
0xd0: {  	s5 =	sadd.s32 $0x1900, s31;
	[sflag:s28] =	ssyncadd.s32 $0xFFFFD800  }
0xd1: {  	[hbm4b:s5+s3] =	stream.linear.scatter [tilespmem:s10], [sflag:$0x3], $0xC800, $0x38;
	[tilespmem:$0x19400] =	vst v63  }
0xd2: {  	_ =	swait.ge [sflag:s7], $0xC800  }
0xd3: {  	[sflag:s7] =	ssyncset.done $0x0  }
0xd4: {  	s30 =	sadd.s32 $0x1900, s30;
	[sflag:s7] =	ssyncadd.s32 $0xFFFF3800  }
0xd5: {  	[hbm4b:s30+s3] =	stream.linear.scatter [tilespmem:s11], [sflag:$0x3], $0xC800, $0x38;
	[tilespmem:$0x19400] =	vst v63  }
0xd6: {  	_ =	swait.ge [sflag:s7], $0xC800  }
0xd7: {  	s29 =	sadd.s32 $0x1, s29;
	s31 =	rddreg [dreg:$0x7]  }
0xd8: {  	p0 =	sne.s32 s29, s31  }
.Ltmp1:
0xd9: {  	_ = 	snop;
	(pc) =	sbr.rel @p0 .LBB2_1-.Ltmp1, $3  }
0xda: {  	_ =	sdelay $0x1  }
0xdb: {  	[sflag:s7] =	ssyncset.done $0x0  }
0xdc: {  	[sflag:s7] =	ssyncadd.s32 $0xFFFF3800  }
0xdd: {  	_ =	sfence.sel $0x180000  }
0xde: {  	[bflag:$0x0] =	sbarrier.arrive $0xFFFF  }
0xdf: {  	_ =	strace $0x90000047  }
0xe0: {  	s0 =	stileid.u32;
	[bflag:$0x2] =	sbarrier.arrive $0xFFFF  }
0xe1: {  	p0 =	sne.s32 s0, $0x0;
	s0 =	rddreg [dreg:$0x3]  }
0xe2: {  	s0 =	sadd.s32 @!p0 $0x100000, s0  }
0xe3: {  	[sflag:s0] =	ssyncadd.tile.s32 @!p0 $0x1;
	_ =	shalt  }
.Lfunc_end2:
_tile_overlayer_lowered:
.L_overlay_start_2:
0xe4: {  	(tag) =	ssettag $0x2  }
0xe5: {  	s0 =	rddreg [dreg:$0x0];
	s2 =	stileid.u32  }
0xe6: {  	s1 =	rddreg [dreg:$0x1];
	p0 =	sne.s32 s2, $0x0  }
0xe7: {  	s3 =	rddreg [dreg:$0x2];
	[bflag:$0x3] =	sbarrier.arrive $0xFFFF;
	s2 =	simm.s32 @!p0 $0x1C03  }
0xe8: {  	[timem:s3], [sflag:s2] =	dma.local @!p0 [hbm:s0], s1  }
0xe9: {  	s0 =	simm.s32 @!p0 $0x3  }
0xea: {  	_ =	swait.ge @!p0 [sflag:s0], s1  }
0xeb: {  	s1 =	ssub.s32 @!p0 $0x0, s1;
	[sflag:s0] =	ssyncset.done @!p0 $0x0  }
0xec: {  	[sflag:s0] =	ssyncadd.s32 @!p0 s1  }
0xed: {  	[bflag:$0x3] =	sbarrier.arrive $0xFFFF  }
0xee: {  	_ =	shalt  }

// kernel: sparse-core-data-format-call.cloned.1.call-start
scs
called_computation_lowered:
.L_overlay_start_0:
0x0: {  	s2 =	sld [smem:$0x3FD9]  }
0x1: {  	s3 =	sld [smem:$0x3FFE];
	_ =	sdelay $0x1  }
0x2: {  	s1 =	srdreg.scid  }
0x3: {  	s0 =	sand.u32 $0x1, s1  }
0x4: {  	s15 =	sshll.u32 s0, $0xA;
	s2 =	sadd.s32 s3, s2  }
0x5: {  	s2 =	sadd.s32 s2, s15  }
0x6: {  	[smem:$0x3FC1] =	sst s2  }
0x7: {  	_ = 	snop  }
0x8: {  	s2 =	sld [smem:$0x3FD0];
	_ =	sdelay $0x2  }
0x9: {  	s16 =	simm.s32 $0xA;
	s4 =	simm.s32 $0x10  }
0xa: {  	[smem:s4], [sflag:s16] =	dma.local [hbm:s2], $0x1  }
0xb: {  	_ =	swait.eq [sflag:s16], $0x1  }
0xc: {  	[sflag:s16] =	ssyncset.done $0x0  }
0xd: {  	[sflag:s16] =	ssyncadd.s32 $0xFFFFFFFF  }
0xe: {  	s17 =	sld [smem:$0x11];
	(tm) =	ssettm $0x1  }
0xf: {  	s18 =	sld [smem:$0x3FFB];
	_ =	sdelay $0x3  }
0x10: {  	_ =	strace s18  }
0x11: {  	s3 =	sld [smem:$0x3FFC];
	_ =	sdelay $0x3  }
0x12: {  	_ =	strace s3  }
0x13: {  	s3 =	sld [smem:$0x3FFD];
	_ =	sdelay $0x3  }
0x14: {  	_ =	strace s3  }
0x15: {  	_ =	strace $0x8FFFFFFF  }
0x16: {  	s19 =	sld [smem:$0x3FDB];
	_ =	sdelay $0x1  }
0x17: {  	s20 =	simm.s32 $_scs_section_size  }
0x18: {  	s5 =	simm.s32 $_size__tile_overlayer_lowered;
	s6 =	simm.s32 $_tile_overlayer_lowered  }
0x19: {  	s23 =	simm.s32 $0x1BFF;
	s22 =	sshll.u32 s6, $0x1;
	s3 =	sadd.s32 s20, s19  }
0x1a: {  	s7 =	simm.s32 $0x0;
	s21 =	sshll.u32 s5, $0x1;
	s5 =	sadd.s32 s22, s3  }
0x1b: {  	[timem:s7], [sflag:s23] =	dma.local [hbm:s5], s21  }
0x1c: {  	_ =	swait.ge [sflag:s23], s21  }
0x1d: {  	s4 =	ssub.s32 $0x0, s21;
	[sflag:s23] =	ssyncset.done $0x0  }
0x1e: {  	[sflag:s23] =	ssyncadd.s32 s4;
	_ =	sdelay $0x1  }
0x1f: {  	s24 =	simm.s32 $0x1B8B  }
0x20: {  	_ =	swait.ge [sflag:s24], $0x1  }
0x21: {  	[sflag:s24] =	ssyncset.done $0x0  }
0x22: {  	s26 =	simm.s32 $0x1B8E;
	s25 =	sld [smem:$0x3FFE];
	[sflag:s24] =	ssyncadd.s32 $0xFFFFFFFF  }
0x23: {  	s27 =	simm.s32 $execute0_lowered;
	[smem:$0x3FD2] =	sst s26  }
0x24: {  	s5 =	sshll.u32 s27, $0x1;
	_ =	strace $0x80000049;
	[dreg:$0x1] =	wrdreg $0xFFFFFFFF  }
0x25: {  	s28 =	simm.s32 $_size_execute0_lowered;
	s3 =	sadd.s32 s3, s5;
	[dreg:$0x0] =	wrdreg $0x0  }
0x26: {  	s5 =	sshll.u32 s28, $0x1;
	[dreg:$0x2] =	wrdreg s3  }
0x27: {  	[dreg:$0x3] =	wrdreg s5  }
0x28: {  	[dreg:$0x4] =	wrdreg $0xC0  }
0x29: {  	_ =	task [dreg:s7], $0x5FFFF  }
0x2a: {  	[dreg:$0x1] =	wrdreg $0xFFFFFFFF  }
0x2b: {  	[dreg:$0x0] =	wrdreg $0x60  }
0x2c: {  	[dreg:$0x2] =	wrdreg s25  }
0x2d: {  	[dreg:$0x3] =	wrdreg s17  }
0x2e: {  	[dreg:$0x4] =	wrdreg $0x9  }
0x2f: {  	_ =	task.clear_ibuf [dreg:s7], $0x5FFFF;
	_ =	strace $0x90000049  }
0x30: {  	s29 =	simm.s32 $0x9;
	_ =	strace $0x8000004B  }
0x31: {  	_ =	swait.ge [sflag:s29], $0x1  }
0x32: {  	[sflag:s29] =	ssyncadd.s32 $0xFFFFFFFF  }
0x33: {  	_ =	strace $0x9000004B  }
0x34: {  	_ =	sfence  }
0x35: {  	s30 =	sld [smem:$0x0];
	_ =	sdelay $0x2  }
0x36: {  	s31 =	sshll.u32 s1, $0xD;
	s1 =	sshrl.u32 s1, $0x2  }
0x37: {  	s3 =	sand.u32 $0x4000, s31;
	s1 =	sadd.s32 s1, s30  }
0x38: {  	s0 =	sor.u32 s3, s0;
	s1 =	sshll.u32 s1, $0x11  }
0x39: {  	s0 =	sor.u32 s1, s0  }
0x3a: {  	s0 =	sadd.s32 $0x8F2B, s0  }
0x3b: {  	[sflag:s0] =	ssyncadd.remote.s32 $0x1  }
0x3c: {  	_ =	sfence.sel $0xFFFF  }
0x3d: {  	[dreg:$0x0] =	wrdreg $0xFFFFFFFF;
	(pc) =	sbr.abs _section_cstart, $3  }
0x3e: {  	[dreg:$0x1] =	wrdreg $0xFFFFFFFF  }
0x3f: {  	_ =	task.clear_ibuf [dreg:s7], $0x2FFFF;
	_ =	strace $0x9FFFFFFF  }
0x40: {  	(tm) =	ssettm $0x7FFFFFFF  }
0x41: {  	_ =	shalt  }
tec
execute0_lowered:
.L_overlay_start_1:
0x0: {  	(tag) =	ssettag $0x1  }
0x1: {  	s0 =	srdreg.scid  }
0x2: {  	s1 =	sshll.u32 s0, $0x4  }
0x3: {  	s4 =	rddreg [dreg:$0x0];
	s0 =	stileid.u32;
	s1 =	sand.u32 $0x10, s1  }
0x4: {  	s2 =	rddreg [dreg:$0x1];
	s7 =	simm.s32 $0x1;
	s1 =	sor.u32 s0, s1  }
0x5: {  	s8 =	simm.s32 $0x2;
	s9 =	simm.s32 $0x0;
	s3 =	sshll.u32 s1, $0x6  }
0x6: {  	s12 =	simm.s32 $0x0;
	s11 =	simm.s32 $0x0;
	s6 =	ssub.s32 $0x4E200, s3  }
.Ltmp0:
0x7: {  	s4 =	sadd.s32 $0x4F7400, s4;
	s5 =	sand.u32 $0x7C0, s6;
	(pc) =	sbr.rel .LBB1_1-.Ltmp0, $4  }
0x8: {  	s1 =	rddreg [dreg:$0x2];
	_ =	strace $0x8000004A;
	p0 =	sne.s32 s5, $0x0  }
0x9: {  	s6 =	sshrl.u32 s6, $0xB;
	s5 =	simm.s32 $0x1;
	s7 =	simm.s32 @!p0 $0x0  }
0xa: {  	s10 =	smov.u32 s3;
	[sflag:s5] =	ssyncpa.u1 $0x0;
	s6 =	sadd.s32 s7, s6  }
0xb: {  	[sflag:s8] =	ssyncpa.u1 $0x0;
	s8 =	simm.s32 $0x0;
	s7 =	sadd.s32 $0x1, s6  }
.LBB1_4:
0xc: {  	_ = 	snop  }
0xd: {  	[tilespmem:s15+$0xFFFFFFE0] =	vst v8  }
0xe: {  	[tilespmem:s15+$0xFFFFFFF0] =	vst v7  }
0xf: {  	[tilespmem:s15+$0x10] =	vst v1  }
0x10: {  	s18 =	sor.u32 s20, s19;
	v47 =	vld.idx.msk [tilespmem:v0+s16+$0x470 ss:$0x1], $0xffff;
	[tilespmem:s15+$0x20] =	vst v2  }
0x11: {  	[tilespmem:s15+$0x30] =	vst v3;
	v57 =	vld.idx.msk [tilespmem:v0+s18+$0x410 ss:$0x1], $0xffff  }
0x12: {  	[tilespmem:s15+$0x40] =	vst v4;
	v58 =	vld.idx.msk [tilespmem:v0+s18+$0x420 ss:$0x1], $0xffff  }
0x13: {  	[tilespmem:s15+$0x50] =	vst v5;
	v59 =	vld.idx.msk [tilespmem:v0+s18+$0x430 ss:$0x1], $0xffff  }
0x14: {  	[tilespmem:s15+$0x60] =	vst v6;
	v60 =	vld.idx.msk [tilespmem:v0+s18+$0x440 ss:$0x1], $0xffff  }
0x15: {  	s31 =	sadd.s32 $0x100, s15;
	s19 =	sand.u32 $0x3B00, s18;
	v61 =	vld.idx.msk [tilespmem:v0+s18+$0x450 ss:$0x1], $0xffff;
	[tilespmem:s15+$0x70] =	vst v47  }
0x16: {  	s17 =	sand.u32 $0x80, s17;
	v62 =	vld.idx.msk [tilespmem:v0+s18+$0x460 ss:$0x1], $0xffff;
	s14 =	sadd.s32 s19, s14;
	[tilespmem:s31+$0x10] =	vst v57  }
0x17: {  	v63 =	vld.idx.msk [tilespmem:v0+s18+$0x470 ss:$0x1], $0xffff;
	s14 =	sadd.s32 s17, s14;
	[tilespmem:s31+$0x20] =	vst v58  }
0x18: {  	v48 =	vld [tilespmem:s14+$0x400];
	[tilespmem:s31+$0x30] =	vst v59  }
0x19: {  	v49 =	vld [tilespmem:s14+$0x0];
	[tilespmem:s31+$0x40] =	vst v60  }
0x1a: {  	v50 =	vld [tilespmem:s14+$0x10];
	[tilespmem:s31+$0x50] =	vst v61  }
0x1b: {  	v51 =	vld [tilespmem:s14+$0x20];
	[tilespmem:s31+$0x60] =	vst v62  }
0x1c: {  	v52 =	vld [tilespmem:s14+$0x30];
	[tilespmem:s31+$0x70] =	vst v63  }
0x1d: {  	v53 =	vld [tilespmem:s14+$0x40];
	[tilespmem:s31+$0x0] =	vst v48  }
0x1e: {  	v54 =	vld [tilespmem:s14+$0x50];
	[tilespmem:s31+$0xFFFFFF80] =	vst v49  }
0x1f: {  	v55 =	vld [tilespmem:s14+$0x60];
	[tilespmem:s31+$0xFFFFFF90] =	vst v50  }
0x20: {  	v56 =	vld [tilespmem:s14+$0x70];
	[tilespmem:s31+$0xFFFFFFA0] =	vst v51  }
0x21: {  	[tilespmem:s31+$0xFFFFFFB0] =	vst v52  }
0x22: {  	[tilespmem:s31+$0xFFFFFFC0] =	vst v53  }
0x23: {  	[tilespmem:s31+$0xFFFFFFD0] =	vst v54  }
0x24: {  	s12 =	sshll.u32 s12, $0x5;
	[tilespmem:s31+$0xFFFFFFE0] =	vst v55  }
0x25: {  	s12 =	sadd.s32 s2, s12;
	[tilespmem:s31+$0xFFFFFFF0] =	vst v56  }
0x26: {  	[hbm4b:s12+s8] =	stream.linear.scatter [tilespmem:s13], [sflag:$0x2], $0x4000, $0x38;
	[tilespmem:$0x10000] =	vst v63  }
.LBB1_5:
0x27: {  	s14 =	sadd.s32 $0x800, s10  }
0x28: {  	p1 =	sgt.s32 s14, $0x4E1FF  }
0x29: {  	s14 =	smov.u32 @p1 s3;
	p1 =	sne.s32 s11, s7  }
.Ltmp1:
0x2a: {  	p0 =	slt.u32 s11, $0x2;
	(pc) =	sbr.rel @!p1 .LBB1_6-.Ltmp1, $4  }
0x2b: {  	s13 =	simm.s32 @!p0 $0x2  }
0x2c: {  	s15 =	sadd.s32 $0x1, s11;
	_ =	swait.ge @!p0 [sflag:s13], $0x4000  }
0x2d: {  	s12 =	smov.u32 s10;
	s9 =	sadd.s32 $0x4000, s9;
	[sflag:s13] =	ssyncset.done @!p0 $0x0  }
0x2e: {  	s11 =	smov.u32 s15;
	s10 =	smov.u32 s14;
	[sflag:s13] =	ssyncadd.s32 @!p0 $0xFFFFC000  }
.LBB1_1:
0x2f: {  	p0 =	sge.u32 s11, s6  }
0x30: {  	s13 =	sshll.u32 @!p0 s10, $0x8;
	s14 =	sshll.u32 @!p0 s10, $0x7  }
0x31: {  	s13 =	sand.u32 @!p0 $0xFFFFF800, s13;
	s14 =	sand.u32 @!p0 $0x300, s14  }
0x32: {  	s13 =	sor.u32 @!p0 s14, s13  }
0x33: {  	s13 =	sshrl.u32 @!p0 s13, $0x8  }
0x34: {  	s14 =	smulhi.u32 @!p0 $0x1A36E3, s13;
	_ =	sdelay $0x1  }
0x35: {  	s14 =	sshrl.u32 @!p0 s14, $0x7  }
0x36: {  	s14 =	smul.u32 @!p0 $0x4E200, s14  }
0x37: {  	s31 =	sadd.s32 $0xFFFFFFFF, s11;
	s15 =	sshll.u32 @!p0 s10, $0x4  }
0x38: {  	s15 =	sand.u32 @!p0 $0x10, s15;
	s13 =	ssub.s32 @!p0 s13, s14;
	s14 =	sxor.u32 @!p0 $0xFFFFFFFF, s11  }
0x39: {  	s15 =	sadd.s32 @!p0 s4, s15;
	s14 =	sshll.u32 @!p0 s14, $0xE;
	s13 =	sshll.u32 @!p0 s13, $0x5  }
0x3a: {  	s14 =	sand.u32 @!p0 $0x4000, s14;
	s13 =	sadd.s32 @!p0 s13, s15;
	s15 =	simm.s32 @!p0 $0x0  }
0x3b: {  	[tilespmem:s14], [sflag:$0x1] =	stream.linear.gather @!p0 [hbm4b:s13+s15], $0x4000, $0x38;
	[tilespmem:$0x10000] =	vst v63  }
0x3c: {  	p0 =	sge.u32 s31, s6  }
.Ltmp2:
0x3d: {  	_ = 	snop;
	(pc) =	sbr.rel @p0 .LBB1_5-.Ltmp2, $1  }
0x3e: {  	_ =	sdelay $0x3  }
0x3f: {  	s30 =	simm.s32 $0x0  }
0x40: {  	s15 =	sand.u32 $0x3800, s30;
	s16 =	sand.u32 $0x380, s30  }
0x41: {  	s13 =	sshll.u32 s11, $0xE;
	s16 =	sor.u32 s16, s15  }
0x42: {  	_ =	swait.ge [sflag:s5], $0x4000;
	s14 =	sand.u32 $0x4000, s13;
	s15 =	sand.u32 $0x3B00, s16  }
0x43: {  	[sflag:s5] =	ssyncset.done $0x0;
	s13 =	sand.u32 $0x80, s30;
	s15 =	sadd.s32 s15, s14  }
0x44: {  	[sflag:s5] =	ssyncadd.s32 $0xFFFFC000;
	s13 =	sadd.s32 s13, s15  }
0x45: {  	v4 =	vld [tilespmem:s13+$0x400]  }
0x46: {  	v5 =	vld [tilespmem:s13+$0x0]  }
0x47: {  	v6 =	vld [tilespmem:s13+$0x10]  }
0x48: {  	v0 =	vmov s14;
	v7 =	vld [tilespmem:s13+$0x20]  }
0x49: {  	v9 =	vld [tilespmem:s13+$0x30]  }
0x4a: {  	v10 =	vld [tilespmem:s13+$0x40]  }
0x4b: {  	s31 =	sand.u32 $0x4000, s9;
	v11 =	vld [tilespmem:s13+$0x50]  }
0x4c: {  	s15 =	sor.u32 $0x8080, s31;
	v8 =	vld [tilespmem:s13+$0x60]  }
0x4d: {  	v1 =	vld.idx.msk [tilespmem:v0+s16+$0x410 ss:$0x1], $0xffff;
	[tilespmem:s15+$0x0] =	vst v4  }
0x4e: {  	v2 =	vld.idx.msk [tilespmem:v0+s16+$0x420 ss:$0x1], $0xffff;
	[tilespmem:s15+$0xFFFFFF80] =	vst v5  }
0x4f: {  	v3 =	vld.idx.msk [tilespmem:v0+s16+$0x430 ss:$0x1], $0xffff;
	[tilespmem:s15+$0xFFFFFF90] =	vst v6  }
0x50: {  	[tilespmem:s15+$0xFFFFFFA0] =	vst v7;
	v7 =	vld [tilespmem:s13+$0x70]  }
0x51: {  	s18 =	simm.s32 $0x100;
	[tilespmem:s15+$0xFFFFFFB0] =	vst v9;
	v4 =	vld.idx.msk [tilespmem:v0+s16+$0x440 ss:$0x1], $0xffff  }
0x52: {  	s17 =	simm.s32 $0x80;
	s19 =	sand.u32 $0x3800, s18;
	[tilespmem:s15+$0xFFFFFFC0] =	vst v10;
	v5 =	vld.idx.msk [tilespmem:v0+s16+$0x450 ss:$0x1], $0xffff  }
0x53: {  	s20 =	sand.u32 $0x380, s17;
	s18 =	simm.s32 $0x200;
	s13 =	sor.u32 $0x8000, s14;
	[tilespmem:s15+$0xFFFFFFD0] =	vst v11;
	v6 =	vld.idx.msk [tilespmem:v0+s16+$0x460 ss:$0x1], $0xffff  }
.LBB1_3:
0x54: {  	p0 =	sne.s32 s18, $0x3F00;
	[tilespmem:s15+$0xFFFFFFE0] =	vst v8;
	v8 =	vld.idx.msk [tilespmem:v0+s16+$0x470 ss:$0x1], $0xffff;
	s16 =	sor.u32 s20, s19  }
0x55: {  	s19 =	sand.u32 $0x3B00, s16;
	v9 =	vld.idx.msk [tilespmem:v0+s16+$0x410 ss:$0x1], $0xffff;
	[tilespmem:s15+$0xFFFFFFF0] =	vst v7  }
0x56: {  	s20 =	sand.u32 $0x80, s17;
	s19 =	sadd.s32 s19, s14;
	v7 =	vld.idx.msk [tilespmem:v0+s16+$0x420 ss:$0x1], $0xffff;
	[tilespmem:s15+$0x10] =	vst v1  }
0x57: {  	s19 =	sadd.s32 s20, s19;
	v10 =	vld.idx.msk [tilespmem:v0+s16+$0x430 ss:$0x1], $0xffff;
	[tilespmem:s15+$0x20] =	vst v2  }
0x58: {  	v11 =	vld [tilespmem:s19+$0x400];
	[tilespmem:s15+$0x30] =	vst v3  }
0x59: {  	v12 =	vld [tilespmem:s19+$0x0];
	[tilespmem:s15+$0x40] =	vst v4  }
0x5a: {  	v4 =	vld [tilespmem:s19+$0x10];
	[tilespmem:s15+$0x50] =	vst v5  }
0x5b: {  	v1 =	vmov v9;
	v5 =	vld [tilespmem:s19+$0x20];
	[tilespmem:s15+$0x60] =	vst v6  }
0x5c: {  	v2 =	vmov v7;
	v6 =	vld [tilespmem:s19+$0x30];
	[tilespmem:s15+$0x70] =	vst v8;
	s15 =	sadd.s32 $0x100, s15  }
0x5d: {  	v3 =	vmov v10;
	v9 =	vld [tilespmem:s19+$0x40];
	[tilespmem:s15+$0x0] =	vst v11  }
0x5e: {  	[tilespmem:s15+$0xFFFFFF80] =	vst v12;
	v10 =	vld [tilespmem:s19+$0x50]  }
.Ltmp3:
0x5f: {  	[tilespmem:s15+$0xFFFFFF90] =	vst v4;
	v8 =	vld [tilespmem:s19+$0x60];
	(pc) =	sbr.rel @p0 .LBB1_3-.Ltmp3, $4  }
0x60: {  	[tilespmem:s15+$0xFFFFFFA0] =	vst v5;
	v7 =	vld [tilespmem:s19+$0x70]  }
0x61: {  	[tilespmem:s15+$0xFFFFFFB0] =	vst v6;
	v4 =	vld.idx.msk [tilespmem:v0+s16+$0x440 ss:$0x1], $0xffff  }
0x62: {  	s17 =	sadd.s32 $0x80, s17;
	[tilespmem:s15+$0xFFFFFFC0] =	vst v9;
	v5 =	vld.idx.msk [tilespmem:v0+s16+$0x450 ss:$0x1], $0xffff  }
0x63: {  	s20 =	sand.u32 $0x380, s17;
	s19 =	sand.u32 $0x3800, s18;
	s18 =	sadd.s32 $0x100, s18;
	[tilespmem:s15+$0xFFFFFFD0] =	vst v10;
	v6 =	vld.idx.msk [tilespmem:v0+s16+$0x460 ss:$0x1], $0xffff  }
.Ltmp4:
0x64: {  	_ = 	snop;
	(pc) =	sbr.rel .LBB1_4-.Ltmp4, $1  }
0x65: {  	_ =	sdelay $0x3  }
.LBB1_6:
0x66: {  	_ =	sfence.sel $0x180000  }
0x67: {  	s2 =	simm.s32 $0x1;
	[bflag:$0x0] =	sbarrier.arrive $0xFFFF  }
0x68: {  	s31 =	simm.s32 $0x2;
	[sflag:s2] =	ssyncpa.u1 $0x1  }
0x69: {  	[sflag:s31] =	ssyncpa.u1 $0x1  }
0x6a: {  	p0 =	sne.s32 s0, $0x0;
	_ =	strace $0x9000004A  }
0x6b: {  	s0 =	sadd.s32 @!p0 $0x100000, s1;
	[bflag:$0x2] =	sbarrier.arrive $0xFFFF  }
0x6c: {  	[sflag:s0] =	ssyncadd.tile.s32 @!p0 $0x1;
	_ =	shalt  }
.Lfunc_end1:
_tile_overlayer_lowered:
.L_overlay_start_2:
0x6d: {  	(tag) =	ssettag $0x2  }
0x6e: {  	s0 =	rddreg [dreg:$0x0];
	s2 =	stileid.u32  }
0x6f: {  	s1 =	rddreg [dreg:$0x1];
	p0 =	sne.s32 s2, $0x0  }
0x70: {  	s3 =	rddreg [dreg:$0x2];
	[bflag:$0x3] =	sbarrier.arrive $0xFFFF;
	s2 =	simm.s32 @!p0 $0x1C01  }
0x71: {  	[timem:s3], [sflag:s2] =	dma.local @!p0 [hbm:s0], s1  }
0x72: {  	s0 =	simm.s32 @!p0 $0x1  }
0x73: {  	_ =	swait.ge @!p0 [sflag:s0], s1  }
0x74: {  	s1 =	ssub.s32 @!p0 $0x0, s1;
	[sflag:s0] =	ssyncset.done @!p0 $0x0  }
0x75: {  	[sflag:s0] =	ssyncadd.s32 @!p0 s1  }
0x76: {  	[bflag:$0x3] =	sbarrier.arrive $0xFFFF  }
0x77: {  	_ =	shalt  }

</sc_bundles>
